<compile_context>
chip_gen: v7x
topology: tpu7x:2x2x1
jax: 0.10.2.dev20260603
libtpu: 0.0.44.dev20260713+nightly
codegen_flags: <defaults>
</compile_context>

<pallas_src>
import functools

import jax
import jax.numpy as jnp
from jax import lax
from jax.experimental import pallas as pl
from jax.experimental.pallas import tpu as pltpu
from jax.experimental.pallas import tpu_sc as plsc

NC, NS, LANES = 2, 16, 16
NW = NC * NS
CHUNK = 128
N_NODES = 10000
N_EDGES = 320000
G = -(-N_EDGES // (NW * CHUNK))
EPAD = NW * G * CHUNK
NACC = 10240
ROWS_PER_TILE = NACC // NS
ZCOPIES = ROWS_PER_TILE // CHUNK


def _fill_rows(rows_v, d, value, dtype):
    nl = LANES * 4 // jnp.dtype(dtype).itemsize
    vec = jnp.full((nl,), value, dtype)

    def body(i, _):
        def inner(j, _):
            rows_v[i, pl.ds(j * nl, nl)] = vec
            return 0
        return lax.fori_loop(0, d // nl, inner, 0)

    lax.fori_loop(0, CHUNK, body, 0)


def _make_edge_scatter(d, dtype=jnp.float32):
    mesh = plsc.VectorSubcoreMesh(core_axis_name="c", subcore_axis_name="s",
                                  num_cores=NC, num_subcores=NS)
    f32 = dtype == jnp.float32

    @functools.partial(
        pl.kernel,
        out_type=jax.ShapeDtypeStruct((NC, NACC, d), dtype),
        mesh=mesh,
        scratch_types=[
            pltpu.VMEM((G, CHUNK), jnp.int32),
            pltpu.VMEM((G, CHUNK), jnp.int32),
            pltpu.VMEM((CHUNK, d), dtype),
            pltpu.VMEM_SHARED((NACC, d), dtype),
            pltpu.SemaphoreType.DMA,
        ],
        compiler_params=pltpu.CompilerParams(
            use_tc_tiling_on_sc=(f32 and d % 128 == 0)),
    )
    def k(y_hbm, src_hbm, dst_hbm, out_hbm, src_v, dst_v, rows_v, acc, sem):
        c = lax.axis_index("c")
        s = lax.axis_index("s")
        wid = s * NC + c
        base = s * ROWS_PER_TILE

        _fill_rows(rows_v, d, 0.0, dtype)

        def zero(kk, _):
            pltpu.sync_copy(rows_v, acc.at[pl.ds(base + kk * CHUNK, CHUNK)])
            return 0
        lax.fori_loop(0, ZCOPIES, zero, 0)

        pltpu.sync_copy(src_hbm.at[wid], src_v)
        pltpu.sync_copy(dst_hbm.at[wid], dst_v)
        plsc.subcore_barrier()

        def step(g, _):
            pltpu.async_copy(y_hbm.at[src_v.at[g]], rows_v, sem).wait()
            pltpu.sync_copy(rows_v, acc.at[dst_v.at[g]], add=True)
            return 0
        lax.fori_loop(0, G, step, 0)

        plsc.subcore_barrier()

        def wout(kk, _):
            r = base + kk * CHUNK
            pltpu.sync_copy(acc.at[pl.ds(r, CHUNK)], out_hbm.at[c, pl.ds(r, CHUNK)])
            return 0
        lax.fori_loop(0, ZCOPIES, wout, 0)

    return k


DEG_W = 16
BM = 2000


def _mm_body(x_ref, w_ref, hw_ref):
    hw_ref[...] = jnp.dot(x_ref[...], w_ref[...],
                          preferred_element_type=jnp.float32)


def _scale_body(hw_ref, degp_ref, y_ref, dis_ref):
    deg = degp_ref[0][:, :1] + degp_ref[1][:, :1] + 1.0
    dis = lax.rsqrt(deg)
    y_ref[...] = (hw_ref[...] * dis).astype(jnp.bfloat16)
    dis_ref[...] = dis


def _mid_body(zp_ref, y1_ref, dis_ref, b1_ref, w2_ref, y2_ref):
    zsum = (zp_ref[0].astype(jnp.float32) + zp_ref[1].astype(jnp.float32)
            + y1_ref[...].astype(jnp.float32))
    m = zsum * dis_ref[...] + b1_ref[...]
    h = jnp.maximum(m, 0.0)
    hw = jnp.dot(h, w2_ref[...], preferred_element_type=jnp.float32)
    y2_ref[...] = hw * dis_ref[...]


def _out_body(zp_ref, y2_ref, dis_ref, b2_ref, o_ref):
    o_ref[...] = (zp_ref[0] + zp_ref[1] + y2_ref[...]) * dis_ref[...] + b2_ref[...]


def kernel(x, edge_index, W1, b1, W2, b2):
    n, d_in = x.shape
    d_hid = W1.shape[1]
    n_cls = W2.shape[1]

    src = edge_index[0]
    dst = edge_index[1]
    pad = EPAD - N_EDGES
    junk = n + (jnp.arange(pad, dtype=jnp.int32) % (NACC - n))
    srcp = jnp.concatenate([src, jnp.zeros((pad,), jnp.int32)]).reshape(NW, G, CHUNK)
    dstp = jnp.concatenate([dst, junk]).reshape(NW, G, CHUNK)

    ones_tab = jnp.ones((n, DEG_W), jnp.float32)
    degp = _make_edge_scatter(DEG_W)(ones_tab, srcp, dstp)

    grid = n // BM
    hw1 = pl.pallas_call(
        _mm_body,
        grid=(grid,),
        in_specs=[
            pl.BlockSpec((BM, d_in), lambda i: (i, 0)),
            pl.BlockSpec((d_in, d_hid), lambda i: (0, 0)),
        ],
        out_specs=pl.BlockSpec((BM, d_hid), lambda i: (i, 0)),
        out_shape=jax.ShapeDtypeStruct((n, d_hid), jnp.float32),
    )(x, W1)

    y1, dis = pl.pallas_call(
        _scale_body,
        grid=(grid,),
        in_specs=[
            pl.BlockSpec((BM, d_hid), lambda i: (i, 0)),
            pl.BlockSpec((NC, BM, DEG_W), lambda i: (0, i, 0)),
        ],
        out_specs=[
            pl.BlockSpec((BM, d_hid), lambda i: (i, 0)),
            pl.BlockSpec((BM, 1), lambda i: (i, 0)),
        ],
        out_shape=[
            jax.ShapeDtypeStruct((n, d_hid), jnp.bfloat16),
            jax.ShapeDtypeStruct((n, 1), jnp.float32),
        ],
    )(hw1, degp)

    z1 = _make_edge_scatter(d_hid, jnp.bfloat16)(y1, srcp, dstp)

    y2 = pl.pallas_call(
        _mid_body,
        grid=(grid,),
        in_specs=[
            pl.BlockSpec((NC, BM, d_hid), lambda i: (0, i, 0)),
            pl.BlockSpec((BM, d_hid), lambda i: (i, 0)),
            pl.BlockSpec((BM, 1), lambda i: (i, 0)),
            pl.BlockSpec((1, d_hid), lambda i: (0, 0)),
            pl.BlockSpec((d_hid, n_cls), lambda i: (0, 0)),
        ],
        out_specs=pl.BlockSpec((BM, n_cls), lambda i: (i, 0)),
        out_shape=jax.ShapeDtypeStruct((n, n_cls), jnp.float32),
    )(z1, y1, dis, b1.reshape(1, d_hid), W2)

    z2 = _make_edge_scatter(n_cls)(y2, srcp, dstp)

    out = pl.pallas_call(
        _out_body,
        grid=(grid,),
        in_specs=[
            pl.BlockSpec((NC, BM, n_cls), lambda i: (0, i, 0)),
            pl.BlockSpec((BM, n_cls), lambda i: (i, 0)),
            pl.BlockSpec((BM, 1), lambda i: (i, 0)),
            pl.BlockSpec((1, n_cls), lambda i: (0, 0)),
        ],
        out_specs=pl.BlockSpec((BM, n_cls), lambda i: (i, 0)),
        out_shape=jax.ShapeDtypeStruct((n, n_cls), jnp.float32),
    )(z2, y2, dis, b2.reshape(1, n_cls))

    return out

# --- scband reference (transcript-rebuilt; emitter-appended) ---
"""Pipeline reference for scband-gcn-3307124818738 (READ-ONLY COPY).

The authoritative reference and input builder live on the scoring server;
editing this copy changes nothing except your own understanding.
"""

import jax, jax.numpy as jnp
import numpy as np

N = 10000
E = 320000
D_IN = 128
D_HID = 128
N_CLASSES = 16


def setup_inputs(seed: int = 0) -> dict:
    key = jax.random.key(seed)
    k1, k2, k3, k4, k5, k6 = jax.random.split(key, 6)
    x = jax.random.normal(k1, (N, D_IN), dtype=jnp.float32)
    edge_index = jax.random.randint(k2, (2, E), 0, N, dtype=jnp.int32)
    W1 = jax.random.normal(k3, (D_IN, D_HID), dtype=jnp.float32) * (1.0 / np.sqrt(D_IN))
    b1 = jnp.zeros((D_HID,), dtype=jnp.float32)
    W2 = jax.random.normal(k4, (D_HID, N_CLASSES), dtype=jnp.float32) * (1.0 / np.sqrt(D_HID))
    b2 = jnp.zeros((N_CLASSES,), dtype=jnp.float32)
    return {"x": x, "edge_index": edge_index, "W1": W1, "b1": b1, "W2": W2, "b2": b2}


def _gcn_conv(h, W, b, src, dst, norm):
    hw = h @ W
    msgs = hw[src] * norm[:, None]
    out = jax.ops.segment_sum(msgs, dst, num_segments=N)
    return out + b


def reference(x, edge_index, W1, b1, W2, b2):
    # add self-loops (GCNConv default add_self_loops=True)
    ar = jnp.arange(N, dtype=edge_index.dtype)
    src = jnp.concatenate([edge_index[0], ar])
    dst = jnp.concatenate([edge_index[1], ar])
    # symmetric normalization D^{-1/2} (A+I) D^{-1/2}
    deg = jnp.zeros((N,), dtype=jnp.float32).at[dst].add(1.0)
    deg_inv_sqrt = jnp.where(deg > 0, 1.0 / jnp.sqrt(deg), 0.0)
    norm = deg_inv_sqrt[src] * deg_inv_sqrt[dst]
    h = _gcn_conv(x, W1, b1, src, dst, norm)
    h = jax.nn.relu(h)
    # F.dropout(p=0.5, training=self.training): eval mode -> identity
    out = _gcn_conv(h, W2, b2, src, dst, norm)
    return out

if __name__ == "__main__":
    import jax
    _d = setup_inputs()
    print(jax.jit(kernel)(*tuple(_d.values())))

</pallas_src>

<mosaic_0001>
#map = affine_map<(d0, d1) -> (0, 0)>
#map1 = affine_map<(d0, d1) -> (0, 0, 0)>
module attributes {stable_mosaic.version = 14 : i64} {
  func.func @k(%arg0: i32, %arg1: i32, %arg2: memref<10000x16xf32, #tpu.memory_space<hbm>>, %arg3: memref<32x79x128xi32, #tpu.memory_space<hbm>>, %arg4: memref<32x79x128xi32, #tpu.memory_space<hbm>>, %arg5: memref<2x10240x16xf32, #tpu.memory_space<hbm>>, %arg6: memref<79x128xi32, #tpu.memory_space<vmem>>, %arg7: memref<79x128xi32, #tpu.memory_space<vmem>>, %arg8: memref<128x16xf32, #tpu.memory_space<vmem>>, %arg9: memref<10240x16xf32, #tpu.memory_space<vmem_shared>>, %arg10: memref<!tpu.dma_semaphore, #tpu.memory_space<semaphore_mem>>) attributes {dimension_semantics = [#tpu.dimension_semantics<core_parallel>, #tpu.dimension_semantics<subcore_parallel>], iteration_bounds = array<i64: 2, 16>, scalar_prefetch = 0 : i64, scratch_operands = 5 : i64, tpu.core_type = #tpu.core_type<sc_vector_subcore>, window_params = [{transform_indices = #map}, {transform_indices = #map1}, {transform_indices = #map1}, {transform_indices = #map1}]} {
    %mul3A = arith.constant 2 : i32
    %mul3A_0 = arith.muli %arg1, %mul3A : i32
    %add3A = arith.addi %mul3A_0, %arg0 : i32
    %mul3A_1 = arith.constant 640 : i32
    %mul3A_2 = arith.muli %arg1, %mul3A_1 : i32
    %broadcast_in_dim3A = arith.constant 0.000000e+00 : f32
    %broadcast_in_dim3A_3 = vector.broadcast %broadcast_in_dim3A : f32 to vector<16xf32>
    %scan3A = arith.constant 0 : i32
    %scan3A_4 = arith.constant 0 : i32
    %scan3A_5 = arith.constant 128 : i32
    %scan3A_6 = arith.addi %scan3A_4, %scan3A_5 : i32
    %scan3A_7 = arith.constant 1 : i32
    %scan3A_8 = scf.for %scan3A_32 = %scan3A_4 to %scan3A_6 step %scan3A_7 iter_args(%scan3A_33 = %scan3A) -> (i32)  : i32 {
      %scan3A_34 = arith.constant 0 : i32
      %scan3A_35 = arith.constant 0 : i32
      %mul3A_36 = arith.constant 16 : i32
      %mul3A_37 = arith.muli %scan3A_35, %mul3A_36 : i32
      %swap3A = arith.index_cast %scan3A_32 : i32 to index
      %swap3A_38 = arith.index_cast %mul3A_37 : i32 to index
      %swap3A_39 = tpu.vector_load %arg8[%swap3A, %swap3A_38] {strides = array<i32>} : memref<128x16xf32, #tpu.memory_space<vmem>>, vector<1x16xf32>,
      %swap3A_40 = vector.shape_cast %swap3A_39 : vector<1x16xf32> to vector<16xf32>
      %swap3A_41 = vector.shape_cast %broadcast_in_dim3A_3 : vector<16xf32> to vector<1x16xf32>
      tpu.vector_store %arg8[%swap3A, %swap3A_38], %swap3A_41 {strides = array<i32>} : memref<128x16xf32, #tpu.memory_space<vmem>>, vector<1x16xf32>,
      %scan3A_42 = arith.constant 0 : i32
      %scan3A_43 = arith.constant 1 : i32
      scf.yield %scan3A_42 : i32
    }
    %scan3A_9 = arith.constant 128 : i32
    %scan3A_10 = arith.constant 0 : i32
    %scan3A_11 = arith.constant 0 : i32
    %scan3A_12 = arith.constant 5 : i32
    %scan3A_13 = arith.addi %scan3A_11, %scan3A_12 : i32
    %scan3A_14 = arith.constant 1 : i32
    %scan3A_15 = scf.for %scan3A_32 = %scan3A_11 to %scan3A_13 step %scan3A_14 iter_args(%scan3A_33 = %scan3A_10) -> (i32)  : i32 {
      %mul3A_34 = arith.constant 128 : i32
      %mul3A_35 = arith.muli %scan3A_32, %mul3A_34 : i32
      %add3A_36 = arith.addi %mul3A_2, %mul3A_35 : i32
      "tpu.region"() ({
        %run_scoped3A = tpu.sem_alloc : memref<!tpu.dma_semaphore, #tpu.memory_space<semaphore_mem>>
        %dma_start3A = arith.constant 0 : i32
        %dma_start3A_38 = tpu.memref_slice %arg9[%add3A_36, %dma_start3A] : memref<10240x16xf32, #tpu.memory_space<vmem_shared>> -> memref<128x16xf32, #tpu.memory_space<vmem_shared>>
        %dma_start3A_39 = arith.constant 0 : i32
        %dma_start3A_40 = tpu.memref_slice %arg9[%add3A_36, %dma_start3A_39] : memref<10240x16xf32, #tpu.memory_space<vmem_shared>> -> memref<128x16xf32, #tpu.memory_space<vmem_shared>>
        tpu.enqueue_dma source(%arg8 : memref<128x16xf32, #tpu.memory_space<vmem>>) target(%dma_start3A_40 : memref<128x16xf32, #tpu.memory_space<vmem_shared>>) target_semaphore(%run_scoped3A : memref<!tpu.dma_semaphore, #tpu.memory_space<semaphore_mem>>)
        %dma_wait3A = arith.constant 0 : i32
        %dma_wait3A_41 = tpu.memref_slice %arg9[%add3A_36, %dma_wait3A] : memref<10240x16xf32, #tpu.memory_space<vmem_shared>> -> memref<128x16xf32, #tpu.memory_space<vmem_shared>>
        %dma_wait3A_42 = arith.constant 0 : i32
        %dma_wait3A_43 = tpu.memref_slice %arg9[%add3A_36, %dma_wait3A_42] : memref<10240x16xf32, #tpu.memory_space<vmem_shared>> -> memref<128x16xf32, #tpu.memory_space<vmem_shared>>
        tpu.wait_dma2 semaphore(%run_scoped3A : memref<!tpu.dma_semaphore, #tpu.memory_space<semaphore_mem>>) src(%arg8 : memref<128x16xf32, #tpu.memory_space<vmem>>) dst(%dma_wait3A_43 : memref<128x16xf32, #tpu.memory_space<vmem_shared>>)
        tpu.yield
      }) : () -> ()
      %scan3A_37 = arith.constant 0 : i32
      scf.yield %scan3A_37 : i32
    }
    %scan3A_16 = arith.constant 5 : i32
    "tpu.region"() ({
      %run_scoped3A = tpu.sem_alloc : memref<!tpu.dma_semaphore, #tpu.memory_space<semaphore_mem>>
      %dma_start3A = arith.constant 0 : i32
      %dma_start3A_32 = arith.constant 0 : i32
      %dma_start3A_33 = tpu.memref_slice %arg3[%add3A, %dma_start3A, %dma_start3A_32] : memref<32x79x128xi32, #tpu.memory_space<hbm>> -> memref<1x79x128xi32, #tpu.memory_space<hbm>>
      %dma_start3A_34 = tpu.memref_squeeze %dma_start3A_33 : memref<1x79x128xi32, #tpu.memory_space<hbm>> -> memref<79x128xi32, #tpu.memory_space<hbm>>
      %dma_start3A_35 = arith.constant 0 : i32
      %dma_start3A_36 = arith.constant 0 : i32
      %dma_start3A_37 = tpu.memref_slice %arg3[%add3A, %dma_start3A_35, %dma_start3A_36] : memref<32x79x128xi32, #tpu.memory_space<hbm>> -> memref<1x79x128xi32, #tpu.memory_space<hbm>>
      %dma_start3A_38 = tpu.memref_squeeze %dma_start3A_37 : memref<1x79x128xi32, #tpu.memory_space<hbm>> -> memref<79x128xi32, #tpu.memory_space<hbm>>
      tpu.enqueue_dma source(%dma_start3A_38 : memref<79x128xi32, #tpu.memory_space<hbm>>) target(%arg6 : memref<79x128xi32, #tpu.memory_space<vmem>>) target_semaphore(%run_scoped3A : memref<!tpu.dma_semaphore, #tpu.memory_space<semaphore_mem>>)
      %dma_wait3A = arith.constant 0 : i32
      %dma_wait3A_39 = arith.constant 0 : i32
      %dma_wait3A_40 = tpu.memref_slice %arg3[%add3A, %dma_wait3A, %dma_wait3A_39] : memref<32x79x128xi32, #tpu.memory_space<hbm>> -> memref<1x79x128xi32, #tpu.memory_space<hbm>>
      %dma_wait3A_41 = tpu.memref_squeeze %dma_wait3A_40 : memref<1x79x128xi32, #tpu.memory_space<hbm>> -> memref<79x128xi32, #tpu.memory_space<hbm>>
      %dma_wait3A_42 = arith.constant 0 : i32
      %dma_wait3A_43 = arith.constant 0 : i32
      %dma_wait3A_44 = tpu.memref_slice %arg3[%add3A, %dma_wait3A_42, %dma_wait3A_43] : memref<32x79x128xi32, #tpu.memory_space<hbm>> -> memref<1x79x128xi32, #tpu.memory_space<hbm>>
      %dma_wait3A_45 = tpu.memref_squeeze %dma_wait3A_44 : memref<1x79x128xi32, #tpu.memory_space<hbm>> -> memref<79x128xi32, #tpu.memory_space<hbm>>
      tpu.wait_dma2 semaphore(%run_scoped3A : memref<!tpu.dma_semaphore, #tpu.memory_space<semaphore_mem>>) src(%dma_wait3A_45 : memref<79x128xi32, #tpu.memory_space<hbm>>) dst(%arg6 : memref<79x128xi32, #tpu.memory_space<vmem>>)
      tpu.yield
    }) : () -> ()
    "tpu.region"() ({
      %run_scoped3A = tpu.sem_alloc : memref<!tpu.dma_semaphore, #tpu.memory_space<semaphore_mem>>
      %dma_start3A = arith.constant 0 : i32
      %dma_start3A_32 = arith.constant 0 : i32
      %dma_start3A_33 = tpu.memref_slice %arg4[%add3A, %dma_start3A, %dma_start3A_32] : memref<32x79x128xi32, #tpu.memory_space<hbm>> -> memref<1x79x128xi32, #tpu.memory_space<hbm>>
      %dma_start3A_34 = tpu.memref_squeeze %dma_start3A_33 : memref<1x79x128xi32, #tpu.memory_space<hbm>> -> memref<79x128xi32, #tpu.memory_space<hbm>>
      %dma_start3A_35 = arith.constant 0 : i32
      %dma_start3A_36 = arith.constant 0 : i32
      %dma_start3A_37 = tpu.memref_slice %arg4[%add3A, %dma_start3A_35, %dma_start3A_36] : memref<32x79x128xi32, #tpu.memory_space<hbm>> -> memref<1x79x128xi32, #tpu.memory_space<hbm>>
      %dma_start3A_38 = tpu.memref_squeeze %dma_start3A_37 : memref<1x79x128xi32, #tpu.memory_space<hbm>> -> memref<79x128xi32, #tpu.memory_space<hbm>>
      tpu.enqueue_dma source(%dma_start3A_38 : memref<79x128xi32, #tpu.memory_space<hbm>>) target(%arg7 : memref<79x128xi32, #tpu.memory_space<vmem>>) target_semaphore(%run_scoped3A : memref<!tpu.dma_semaphore, #tpu.memory_space<semaphore_mem>>)
      %dma_wait3A = arith.constant 0 : i32
      %dma_wait3A_39 = arith.constant 0 : i32
      %dma_wait3A_40 = tpu.memref_slice %arg4[%add3A, %dma_wait3A, %dma_wait3A_39] : memref<32x79x128xi32, #tpu.memory_space<hbm>> -> memref<1x79x128xi32, #tpu.memory_space<hbm>>
      %dma_wait3A_41 = tpu.memref_squeeze %dma_wait3A_40 : memref<1x79x128xi32, #tpu.memory_space<hbm>> -> memref<79x128xi32, #tpu.memory_space<hbm>>
      %dma_wait3A_42 = arith.constant 0 : i32
      %dma_wait3A_43 = arith.constant 0 : i32
      %dma_wait3A_44 = tpu.memref_slice %arg4[%add3A, %dma_wait3A_42, %dma_wait3A_43] : memref<32x79x128xi32, #tpu.memory_space<hbm>> -> memref<1x79x128xi32, #tpu.memory_space<hbm>>
      %dma_wait3A_45 = tpu.memref_squeeze %dma_wait3A_44 : memref<1x79x128xi32, #tpu.memory_space<hbm>> -> memref<79x128xi32, #tpu.memory_space<hbm>>
      tpu.wait_dma2 semaphore(%run_scoped3A : memref<!tpu.dma_semaphore, #tpu.memory_space<semaphore_mem>>) src(%dma_wait3A_45 : memref<79x128xi32, #tpu.memory_space<hbm>>) dst(%arg7 : memref<79x128xi32, #tpu.memory_space<vmem>>)
      tpu.yield
    }) : () -> ()
    %barrier3A = arith.constant 0 : index
    tpu.barrier barrier_id(%barrier3A)
    %scan3A_17 = arith.constant 0 : i32
    %scan3A_18 = arith.constant 0 : i32
    %scan3A_19 = arith.constant 79 : i32
    %scan3A_20 = arith.addi %scan3A_18, %scan3A_19 : i32
    %scan3A_21 = arith.constant 1 : i32
    %scan3A_22 = scf.for %scan3A_32 = %scan3A_18 to %scan3A_20 step %scan3A_21 iter_args(%scan3A_33 = %scan3A_17) -> (i32)  : i32 {
      %dma_start3A = arith.constant 0 : i32
      %dma_start3A_34 = tpu.memref_slice %arg6[%scan3A_32, %dma_start3A] : memref<79x128xi32, #tpu.memory_space<vmem>> -> memref<1x128xi32, #tpu.memory_space<vmem>>
      %dma_start3A_35 = tpu.memref_squeeze %dma_start3A_34 : memref<1x128xi32, #tpu.memory_space<vmem>> -> memref<128xi32, #tpu.memory_space<vmem>>
      %dma_start3A_36 = arith.constant 0 : i32
      %dma_start3A_37 = arith.constant 0 : i32
      %dma_start3A_38 = tpu.memref_slice %arg2[%dma_start3A_36, %dma_start3A_37] : memref<10000x16xf32, #tpu.memory_space<hbm>> -> memref<10000x16xf32, #tpu.memory_space<hbm>>
      tpu.enqueue_indirect_dma source(%dma_start3A_38 : memref<10000x16xf32, #tpu.memory_space<hbm>>) target(%arg8 : memref<128x16xf32, #tpu.memory_space<vmem>>) offsets(%dma_start3A_35 : memref<128xi32, #tpu.memory_space<vmem>>) semaphore(%arg10 : memref<!tpu.dma_semaphore, #tpu.memory_space<semaphore_mem>>)
      %dma_wait3A = arith.constant 0 : i32
      %dma_wait3A_39 = tpu.memref_slice %arg6[%scan3A_32, %dma_wait3A] : memref<79x128xi32, #tpu.memory_space<vmem>> -> memref<1x128xi32, #tpu.memory_space<vmem>>
      %dma_wait3A_40 = tpu.memref_squeeze %dma_wait3A_39 : memref<1x128xi32, #tpu.memory_space<vmem>> -> memref<128xi32, #tpu.memory_space<vmem>>
      %dma_wait3A_41 = arith.constant 0 : i32
      %dma_wait3A_42 = arith.constant 0 : i32
      %dma_wait3A_43 = tpu.memref_slice %arg2[%dma_wait3A_41, %dma_wait3A_42] : memref<10000x16xf32, #tpu.memory_space<hbm>> -> memref<10000x16xf32, #tpu.memory_space<hbm>>
      tpu.wait_indirect_dma semaphore(%arg10 : memref<!tpu.dma_semaphore, #tpu.memory_space<semaphore_mem>>) src(%dma_wait3A_43 : memref<10000x16xf32, #tpu.memory_space<hbm>>) dst(%arg8 : memref<128x16xf32, #tpu.memory_space<vmem>>)
      "tpu.region"() ({
        %run_scoped3A = tpu.sem_alloc : memref<!tpu.dma_semaphore, #tpu.memory_space<semaphore_mem>>
        %dma_start3A_45 = arith.constant 0 : i32
        %dma_start3A_46 = tpu.memref_slice %arg7[%scan3A_32, %dma_start3A_45] : memref<79x128xi32, #tpu.memory_space<vmem>> -> memref<1x128xi32, #tpu.memory_space<vmem>>
        %dma_start3A_47 = tpu.memref_squeeze %dma_start3A_46 : memref<1x128xi32, #tpu.memory_space<vmem>> -> memref<128xi32, #tpu.memory_space<vmem>>
        %dma_start3A_48 = arith.constant 0 : i32
        %dma_start3A_49 = arith.constant 0 : i32
        %dma_start3A_50 = tpu.memref_slice %arg9[%dma_start3A_48, %dma_start3A_49] : memref<10240x16xf32, #tpu.memory_space<vmem_shared>> -> memref<10240x16xf32, #tpu.memory_space<vmem_shared>>
        tpu.enqueue_indirect_dma source(%arg8 : memref<128x16xf32, #tpu.memory_space<vmem>>) target(%dma_start3A_50 : memref<10240x16xf32, #tpu.memory_space<vmem_shared>>) offsets(%dma_start3A_47 : memref<128xi32, #tpu.memory_space<vmem>>) semaphore(%run_scoped3A : memref<!tpu.dma_semaphore, #tpu.memory_space<semaphore_mem>>) {add = true}
        %dma_wait3A_51 = arith.constant 0 : i32
        %dma_wait3A_52 = tpu.memref_slice %arg7[%scan3A_32, %dma_wait3A_51] : memref<79x128xi32, #tpu.memory_space<vmem>> -> memref<1x128xi32, #tpu.memory_space<vmem>>
        %dma_wait3A_53 = tpu.memref_squeeze %dma_wait3A_52 : memref<1x128xi32, #tpu.memory_space<vmem>> -> memref<128xi32, #tpu.memory_space<vmem>>
        %dma_wait3A_54 = arith.constant 0 : i32
        %dma_wait3A_55 = arith.constant 0 : i32
        %dma_wait3A_56 = tpu.memref_slice %arg9[%dma_wait3A_54, %dma_wait3A_55] : memref<10240x16xf32, #tpu.memory_space<vmem_shared>> -> memref<10240x16xf32, #tpu.memory_space<vmem_shared>>
        tpu.wait_indirect_dma semaphore(%run_scoped3A : memref<!tpu.dma_semaphore, #tpu.memory_space<semaphore_mem>>) src(%arg8 : memref<128x16xf32, #tpu.memory_space<vmem>>) dst(%dma_wait3A_56 : memref<10240x16xf32, #tpu.memory_space<vmem_shared>>)
        tpu.yield
      }) : () -> ()
      %scan3A_44 = arith.constant 0 : i32
      scf.yield %scan3A_44 : i32
    }
    %scan3A_23 = arith.constant 79 : i32
    %barrier3A_24 = arith.constant 0 : index
    tpu.barrier barrier_id(%barrier3A_24)
    %scan3A_25 = arith.constant 0 : i32
    %scan3A_26 = arith.constant 0 : i32
    %scan3A_27 = arith.constant 5 : i32
    %scan3A_28 = arith.addi %scan3A_26, %scan3A_27 : i32
    %scan3A_29 = arith.constant 1 : i32
    %scan3A_30 = scf.for %scan3A_32 = %scan3A_26 to %scan3A_28 step %scan3A_29 iter_args(%scan3A_33 = %scan3A_25) -> (i32)  : i32 {
      %mul3A_34 = arith.constant 128 : i32
      %mul3A_35 = arith.muli %scan3A_32, %mul3A_34 : i32
      %add3A_36 = arith.addi %mul3A_2, %mul3A_35 : i32
      "tpu.region"() ({
        %run_scoped3A = tpu.sem_alloc : memref<!tpu.dma_semaphore, #tpu.memory_space<semaphore_mem>>
        %dma_start3A = arith.constant 0 : i32
        %dma_start3A_38 = tpu.memref_slice %arg5[%arg0, %add3A_36, %dma_start3A] : memref<2x10240x16xf32, #tpu.memory_space<hbm>> -> memref<1x128x16xf32, #tpu.memory_space<hbm>>
        %dma_start3A_39 = tpu.memref_squeeze %dma_start3A_38 : memref<1x128x16xf32, #tpu.memory_space<hbm>> -> memref<128x16xf32, #tpu.memory_space<hbm>>
        %dma_start3A_40 = arith.constant 0 : i32
        %dma_start3A_41 = tpu.memref_slice %arg9[%add3A_36, %dma_start3A_40] : memref<10240x16xf32, #tpu.memory_space<vmem_shared>> -> memref<128x16xf32, #tpu.memory_space<vmem_shared>>
        tpu.enqueue_dma source(%dma_start3A_41 : memref<128x16xf32, #tpu.memory_space<vmem_shared>>) target(%dma_start3A_39 : memref<128x16xf32, #tpu.memory_space<hbm>>) target_semaphore(%run_scoped3A : memref<!tpu.dma_semaphore, #tpu.memory_space<semaphore_mem>>)
        %dma_wait3A = arith.constant 0 : i32
        %dma_wait3A_42 = tpu.memref_slice %arg5[%arg0, %add3A_36, %dma_wait3A] : memref<2x10240x16xf32, #tpu.memory_space<hbm>> -> memref<1x128x16xf32, #tpu.memory_space<hbm>>
        %dma_wait3A_43 = tpu.memref_squeeze %dma_wait3A_42 : memref<1x128x16xf32, #tpu.memory_space<hbm>> -> memref<128x16xf32, #tpu.memory_space<hbm>>
        %dma_wait3A_44 = arith.constant 0 : i32
        %dma_wait3A_45 = tpu.memref_slice %arg9[%add3A_36, %dma_wait3A_44] : memref<10240x16xf32, #tpu.memory_space<vmem_shared>> -> memref<128x16xf32, #tpu.memory_space<vmem_shared>>
        tpu.wait_dma2 semaphore(%run_scoped3A : memref<!tpu.dma_semaphore, #tpu.memory_space<semaphore_mem>>) src(%dma_wait3A_45 : memref<128x16xf32, #tpu.memory_space<vmem_shared>>) dst(%dma_wait3A_43 : memref<128x16xf32, #tpu.memory_space<hbm>>)
        tpu.yield
      }) : () -> ()
      %scan3A_37 = arith.constant 0 : i32
      scf.yield %scan3A_37 : i32
    }
    %scan3A_31 = arith.constant 5 : i32
    return
  }
}

#map = affine_map<(d0, d1) -> (0, 0)>
#map1 = affine_map<(d0, d1) -> (0, 0, 0)>
module attributes {stable_mosaic.version = 14 : i64} {
  func.func @k(%arg0: i32, %arg1: i32, %arg2: memref<10000x128xbf16, #tpu.memory_space<hbm>>, %arg3: memref<32x79x128xi32, #tpu.memory_space<hbm>>, %arg4: memref<32x79x128xi32, #tpu.memory_space<hbm>>, %arg5: memref<2x10240x128xbf16, #tpu.memory_space<hbm>>, %arg6: memref<79x128xi32, #tpu.memory_space<vmem>>, %arg7: memref<79x128xi32, #tpu.memory_space<vmem>>, %arg8: memref<128x128xbf16, #tpu.memory_space<vmem>>, %arg9: memref<10240x128xbf16, #tpu.memory_space<vmem_shared>>, %arg10: memref<!tpu.dma_semaphore, #tpu.memory_space<semaphore_mem>>) attributes {dimension_semantics = [#tpu.dimension_semantics<core_parallel>, #tpu.dimension_semantics<subcore_parallel>], iteration_bounds = array<i64: 2, 16>, scalar_prefetch = 0 : i64, scratch_operands = 5 : i64, tpu.core_type = #tpu.core_type<sc_vector_subcore>, window_params = [{transform_indices = #map}, {transform_indices = #map1}, {transform_indices = #map1}, {transform_indices = #map1}]} {
    %mul3A = arith.constant 2 : i32
    %mul3A_0 = arith.muli %arg1, %mul3A : i32
    %add3A = arith.addi %mul3A_0, %arg0 : i32
    %mul3A_1 = arith.constant 640 : i32
    %mul3A_2 = arith.muli %arg1, %mul3A_1 : i32
    %broadcast_in_dim3A = arith.constant 0.000000e+00 : bf16
    %broadcast_in_dim3A_3 = vector.broadcast %broadcast_in_dim3A : bf16 to vector<32xbf16>
    %scan3A = arith.constant 0 : i32
    %scan3A_4 = arith.constant 0 : i32
    %scan3A_5 = arith.constant 128 : i32
    %scan3A_6 = arith.addi %scan3A_4, %scan3A_5 : i32
    %scan3A_7 = arith.constant 1 : i32
    %scan3A_8 = scf.for %scan3A_32 = %scan3A_4 to %scan3A_6 step %scan3A_7 iter_args(%scan3A_33 = %scan3A) -> (i32)  : i32 {
      %scan3A_34 = arith.constant 0 : i32
      %scan3A_35 = arith.constant 0 : i32
      %scan3A_36 = arith.constant 4 : i32
      %scan3A_37 = arith.addi %scan3A_35, %scan3A_36 : i32
      %scan3A_38 = arith.constant 1 : i32
      %scan3A_39 = scf.for %scan3A_41 = %scan3A_35 to %scan3A_37 step %scan3A_38 iter_args(%scan3A_42 = %scan3A_34) -> (i32)  : i32 {
        %mul3A_43 = arith.constant 32 : i32
        %mul3A_44 = arith.muli %scan3A_41, %mul3A_43 : i32
        %swap3A = arith.index_cast %scan3A_32 : i32 to index
        %swap3A_45 = arith.index_cast %mul3A_44 : i32 to index
        %swap3A_46 = tpu.vector_load %arg8[%swap3A, %swap3A_45] {strides = array<i32>} : memref<128x128xbf16, #tpu.memory_space<vmem>>, vector<1x32xbf16>,
        %swap3A_47 = vector.shape_cast %swap3A_46 : vector<1x32xbf16> to vector<32xbf16>
        %swap3A_48 = vector.shape_cast %broadcast_in_dim3A_3 : vector<32xbf16> to vector<1x32xbf16>
        tpu.vector_store %arg8[%swap3A, %swap3A_45], %swap3A_48 {strides = array<i32>} : memref<128x128xbf16, #tpu.memory_space<vmem>>, vector<1x32xbf16>,
        %scan3A_49 = arith.constant 0 : i32
        scf.yield %scan3A_49 : i32
      }
      %scan3A_40 = arith.constant 4 : i32
      scf.yield %scan3A_39 : i32
    }
    %scan3A_9 = arith.constant 128 : i32
    %scan3A_10 = arith.constant 0 : i32
    %scan3A_11 = arith.constant 0 : i32
    %scan3A_12 = arith.constant 5 : i32
    %scan3A_13 = arith.addi %scan3A_11, %scan3A_12 : i32
    %scan3A_14 = arith.constant 1 : i32
    %scan3A_15 = scf.for %scan3A_32 = %scan3A_11 to %scan3A_13 step %scan3A_14 iter_args(%scan3A_33 = %scan3A_10) -> (i32)  : i32 {
      %mul3A_34 = arith.constant 128 : i32
      %mul3A_35 = arith.muli %scan3A_32, %mul3A_34 : i32
      %add3A_36 = arith.addi %mul3A_2, %mul3A_35 : i32
      "tpu.region"() ({
        %run_scoped3A = tpu.sem_alloc : memref<!tpu.dma_semaphore, #tpu.memory_space<semaphore_mem>>
        %dma_start3A = arith.constant 0 : i32
        %dma_start3A_38 = tpu.memref_slice %arg9[%add3A_36, %dma_start3A] : memref<10240x128xbf16, #tpu.memory_space<vmem_shared>> -> memref<128x128xbf16, #tpu.memory_space<vmem_shared>>
        %dma_start3A_39 = arith.constant 0 : i32
        %dma_start3A_40 = tpu.memref_slice %arg9[%add3A_36, %dma_start3A_39] : memref<10240x128xbf16, #tpu.memory_space<vmem_shared>> -> memref<128x128xbf16, #tpu.memory_space<vmem_shared>>
        tpu.enqueue_dma source(%arg8 : memref<128x128xbf16, #tpu.memory_space<vmem>>) target(%dma_start3A_40 : memref<128x128xbf16, #tpu.memory_space<vmem_shared>>) target_semaphore(%run_scoped3A : memref<!tpu.dma_semaphore, #tpu.memory_space<semaphore_mem>>)
        %dma_wait3A = arith.constant 0 : i32
        %dma_wait3A_41 = tpu.memref_slice %arg9[%add3A_36, %dma_wait3A] : memref<10240x128xbf16, #tpu.memory_space<vmem_shared>> -> memref<128x128xbf16, #tpu.memory_space<vmem_shared>>
        %dma_wait3A_42 = arith.constant 0 : i32
        %dma_wait3A_43 = tpu.memref_slice %arg9[%add3A_36, %dma_wait3A_42] : memref<10240x128xbf16, #tpu.memory_space<vmem_shared>> -> memref<128x128xbf16, #tpu.memory_space<vmem_shared>>
        tpu.wait_dma2 semaphore(%run_scoped3A : memref<!tpu.dma_semaphore, #tpu.memory_space<semaphore_mem>>) src(%arg8 : memref<128x128xbf16, #tpu.memory_space<vmem>>) dst(%dma_wait3A_43 : memref<128x128xbf16, #tpu.memory_space<vmem_shared>>)
        tpu.yield
      }) : () -> ()
      %scan3A_37 = arith.constant 0 : i32
      scf.yield %scan3A_37 : i32
    }
    %scan3A_16 = arith.constant 5 : i32
    "tpu.region"() ({
      %run_scoped3A = tpu.sem_alloc : memref<!tpu.dma_semaphore, #tpu.memory_space<semaphore_mem>>
      %dma_start3A = arith.constant 0 : i32
      %dma_start3A_32 = arith.constant 0 : i32
      %dma_start3A_33 = tpu.memref_slice %arg3[%add3A, %dma_start3A, %dma_start3A_32] : memref<32x79x128xi32, #tpu.memory_space<hbm>> -> memref<1x79x128xi32, #tpu.memory_space<hbm>>
      %dma_start3A_34 = tpu.memref_squeeze %dma_start3A_33 : memref<1x79x128xi32, #tpu.memory_space<hbm>> -> memref<79x128xi32, #tpu.memory_space<hbm>>
      %dma_start3A_35 = arith.constant 0 : i32
      %dma_start3A_36 = arith.constant 0 : i32
      %dma_start3A_37 = tpu.memref_slice %arg3[%add3A, %dma_start3A_35, %dma_start3A_36] : memref<32x79x128xi32, #tpu.memory_space<hbm>> -> memref<1x79x128xi32, #tpu.memory_space<hbm>>
      %dma_start3A_38 = tpu.memref_squeeze %dma_start3A_37 : memref<1x79x128xi32, #tpu.memory_space<hbm>> -> memref<79x128xi32, #tpu.memory_space<hbm>>
      tpu.enqueue_dma source(%dma_start3A_38 : memref<79x128xi32, #tpu.memory_space<hbm>>) target(%arg6 : memref<79x128xi32, #tpu.memory_space<vmem>>) target_semaphore(%run_scoped3A : memref<!tpu.dma_semaphore, #tpu.memory_space<semaphore_mem>>)
      %dma_wait3A = arith.constant 0 : i32
      %dma_wait3A_39 = arith.constant 0 : i32
      %dma_wait3A_40 = tpu.memref_slice %arg3[%add3A, %dma_wait3A, %dma_wait3A_39] : memref<32x79x128xi32, #tpu.memory_space<hbm>> -> memref<1x79x128xi32, #tpu.memory_space<hbm>>
      %dma_wait3A_41 = tpu.memref_squeeze %dma_wait3A_40 : memref<1x79x128xi32, #tpu.memory_space<hbm>> -> memref<79x128xi32, #tpu.memory_space<hbm>>
      %dma_wait3A_42 = arith.constant 0 : i32
      %dma_wait3A_43 = arith.constant 0 : i32
      %dma_wait3A_44 = tpu.memref_slice %arg3[%add3A, %dma_wait3A_42, %dma_wait3A_43] : memref<32x79x128xi32, #tpu.memory_space<hbm>> -> memref<1x79x128xi32, #tpu.memory_space<hbm>>
      %dma_wait3A_45 = tpu.memref_squeeze %dma_wait3A_44 : memref<1x79x128xi32, #tpu.memory_space<hbm>> -> memref<79x128xi32, #tpu.memory_space<hbm>>
      tpu.wait_dma2 semaphore(%run_scoped3A : memref<!tpu.dma_semaphore, #tpu.memory_space<semaphore_mem>>) src(%dma_wait3A_45 : memref<79x128xi32, #tpu.memory_space<hbm>>) dst(%arg6 : memref<79x128xi32, #tpu.memory_space<vmem>>)
      tpu.yield
    }) : () -> ()
    "tpu.region"() ({
      %run_scoped3A = tpu.sem_alloc : memref<!tpu.dma_semaphore, #tpu.memory_space<semaphore_mem>>
      %dma_start3A = arith.constant 0 : i32
      %dma_start3A_32 = arith.constant 0 : i32
      %dma_start3A_33 = tpu.memref_slice %arg4[%add3A, %dma_start3A, %dma_start3A_32] : memref<32x79x128xi32, #tpu.memory_space<hbm>> -> memref<1x79x128xi32, #tpu.memory_space<hbm>>
      %dma_start3A_34 = tpu.memref_squeeze %dma_start3A_33 : memref<1x79x128xi32, #tpu.memory_space<hbm>> -> memref<79x128xi32, #tpu.memory_space<hbm>>
      %dma_start3A_35 = arith.constant 0 : i32
      %dma_start3A_36 = arith.constant 0 : i32
      %dma_start3A_37 = tpu.memref_slice %arg4[%add3A, %dma_start3A_35, %dma_start3A_36] : memref<32x79x128xi32, #tpu.memory_space<hbm>> -> memref<1x79x128xi32, #tpu.memory_space<hbm>>
      %dma_start3A_38 = tpu.memref_squeeze %dma_start3A_37 : memref<1x79x128xi32, #tpu.memory_space<hbm>> -> memref<79x128xi32, #tpu.memory_space<hbm>>
      tpu.enqueue_dma source(%dma_start3A_38 : memref<79x128xi32, #tpu.memory_space<hbm>>) target(%arg7 : memref<79x128xi32, #tpu.memory_space<vmem>>) target_semaphore(%run_scoped3A : memref<!tpu.dma_semaphore, #tpu.memory_space<semaphore_mem>>)
      %dma_wait3A = arith.constant 0 : i32
      %dma_wait3A_39 = arith.constant 0 : i32
      %dma_wait3A_40 = tpu.memref_slice %arg4[%add3A, %dma_wait3A, %dma_wait3A_39] : memref<32x79x128xi32, #tpu.memory_space<hbm>> -> memref<1x79x128xi32, #tpu.memory_space<hbm>>
      %dma_wait3A_41 = tpu.memref_squeeze %dma_wait3A_40 : memref<1x79x128xi32, #tpu.memory_space<hbm>> -> memref<79x128xi32, #tpu.memory_space<hbm>>
      %dma_wait3A_42 = arith.constant 0 : i32
      %dma_wait3A_43 = arith.constant 0 : i32
      %dma_wait3A_44 = tpu.memref_slice %arg4[%add3A, %dma_wait3A_42, %dma_wait3A_43] : memref<32x79x128xi32, #tpu.memory_space<hbm>> -> memref<1x79x128xi32, #tpu.memory_space<hbm>>
      %dma_wait3A_45 = tpu.memref_squeeze %dma_wait3A_44 : memref<1x79x128xi32, #tpu.memory_space<hbm>> -> memref<79x128xi32, #tpu.memory_space<hbm>>
      tpu.wait_dma2 semaphore(%run_scoped3A : memref<!tpu.dma_semaphore, #tpu.memory_space<semaphore_mem>>) src(%dma_wait3A_45 : memref<79x128xi32, #tpu.memory_space<hbm>>) dst(%arg7 : memref<79x128xi32, #tpu.memory_space<vmem>>)
      tpu.yield
    }) : () -> ()
    %barrier3A = arith.constant 0 : index
    tpu.barrier barrier_id(%barrier3A)
    %scan3A_17 = arith.constant 0 : i32
    %scan3A_18 = arith.constant 0 : i32
    %scan3A_19 = arith.constant 79 : i32
    %scan3A_20 = arith.addi %scan3A_18, %scan3A_19 : i32
    %scan3A_21 = arith.constant 1 : i32
    %scan3A_22 = scf.for %scan3A_32 = %scan3A_18 to %scan3A_20 step %scan3A_21 iter_args(%scan3A_33 = %scan3A_17) -> (i32)  : i32 {
      %dma_start3A = arith.constant 0 : i32
      %dma_start3A_34 = tpu.memref_slice %arg6[%scan3A_32, %dma_start3A] : memref<79x128xi32, #tpu.memory_space<vmem>> -> memref<1x128xi32, #tpu.memory_space<vmem>>
      %dma_start3A_35 = tpu.memref_squeeze %dma_start3A_34 : memref<1x128xi32, #tpu.memory_space<vmem>> -> memref<128xi32, #tpu.memory_space<vmem>>
      %dma_start3A_36 = arith.constant 0 : i32
      %dma_start3A_37 = arith.constant 0 : i32
      %dma_start3A_38 = tpu.memref_slice %arg2[%dma_start3A_36, %dma_start3A_37] : memref<10000x128xbf16, #tpu.memory_space<hbm>> -> memref<10000x128xbf16, #tpu.memory_space<hbm>>
      tpu.enqueue_indirect_dma source(%dma_start3A_38 : memref<10000x128xbf16, #tpu.memory_space<hbm>>) target(%arg8 : memref<128x128xbf16, #tpu.memory_space<vmem>>) offsets(%dma_start3A_35 : memref<128xi32, #tpu.memory_space<vmem>>) semaphore(%arg10 : memref<!tpu.dma_semaphore, #tpu.memory_space<semaphore_mem>>)
      %dma_wait3A = arith.constant 0 : i32
      %dma_wait3A_39 = tpu.memref_slice %arg6[%scan3A_32, %dma_wait3A] : memref<79x128xi32, #tpu.memory_space<vmem>> -> memref<1x128xi32, #tpu.memory_space<vmem>>
      %dma_wait3A_40 = tpu.memref_squeeze %dma_wait3A_39 : memref<1x128xi32, #tpu.memory_space<vmem>> -> memref<128xi32, #tpu.memory_space<vmem>>
      %dma_wait3A_41 = arith.constant 0 : i32
      %dma_wait3A_42 = arith.constant 0 : i32
      %dma_wait3A_43 = tpu.memref_slice %arg2[%dma_wait3A_41, %dma_wait3A_42] : memref<10000x128xbf16, #tpu.memory_space<hbm>> -> memref<10000x128xbf16, #tpu.memory_space<hbm>>
      tpu.wait_indirect_dma semaphore(%arg10 : memref<!tpu.dma_semaphore, #tpu.memory_space<semaphore_mem>>) src(%dma_wait3A_43 : memref<10000x128xbf16, #tpu.memory_space<hbm>>) dst(%arg8 : memref<128x128xbf16, #tpu.memory_space<vmem>>)
      "tpu.region"() ({
        %run_scoped3A = tpu.sem_alloc : memref<!tpu.dma_semaphore, #tpu.memory_space<semaphore_mem>>
        %dma_start3A_45 = arith.constant 0 : i32
        %dma_start3A_46 = tpu.memref_slice %arg7[%scan3A_32, %dma_start3A_45] : memref<79x128xi32, #tpu.memory_space<vmem>> -> memref<1x128xi32, #tpu.memory_space<vmem>>
        %dma_start3A_47 = tpu.memref_squeeze %dma_start3A_46 : memref<1x128xi32, #tpu.memory_space<vmem>> -> memref<128xi32, #tpu.memory_space<vmem>>
        %dma_start3A_48 = arith.constant 0 : i32
        %dma_start3A_49 = arith.constant 0 : i32
        %dma_start3A_50 = tpu.memref_slice %arg9[%dma_start3A_48, %dma_start3A_49] : memref<10240x128xbf16, #tpu.memory_space<vmem_shared>> -> memref<10240x128xbf16, #tpu.memory_space<vmem_shared>>
        tpu.enqueue_indirect_dma source(%arg8 : memref<128x128xbf16, #tpu.memory_space<vmem>>) target(%dma_start3A_50 : memref<10240x128xbf16, #tpu.memory_space<vmem_shared>>) offsets(%dma_start3A_47 : memref<128xi32, #tpu.memory_space<vmem>>) semaphore(%run_scoped3A : memref<!tpu.dma_semaphore, #tpu.memory_space<semaphore_mem>>) {add = true}
        %dma_wait3A_51 = arith.constant 0 : i32
        %dma_wait3A_52 = tpu.memref_slice %arg7[%scan3A_32, %dma_wait3A_51] : memref<79x128xi32, #tpu.memory_space<vmem>> -> memref<1x128xi32, #tpu.memory_space<vmem>>
        %dma_wait3A_53 = tpu.memref_squeeze %dma_wait3A_52 : memref<1x128xi32, #tpu.memory_space<vmem>> -> memref<128xi32, #tpu.memory_space<vmem>>
        %dma_wait3A_54 = arith.constant 0 : i32
        %dma_wait3A_55 = arith.constant 0 : i32
        %dma_wait3A_56 = tpu.memref_slice %arg9[%dma_wait3A_54, %dma_wait3A_55] : memref<10240x128xbf16, #tpu.memory_space<vmem_shared>> -> memref<10240x128xbf16, #tpu.memory_space<vmem_shared>>
        tpu.wait_indirect_dma semaphore(%run_scoped3A : memref<!tpu.dma_semaphore, #tpu.memory_space<semaphore_mem>>) src(%arg8 : memref<128x128xbf16, #tpu.memory_space<vmem>>) dst(%dma_wait3A_56 : memref<10240x128xbf16, #tpu.memory_space<vmem_shared>>)
        tpu.yield
      }) : () -> ()
      %scan3A_44 = arith.constant 0 : i32
      scf.yield %scan3A_44 : i32
    }
    %scan3A_23 = arith.constant 79 : i32
    %barrier3A_24 = arith.constant 0 : index
    tpu.barrier barrier_id(%barrier3A_24)
    %scan3A_25 = arith.constant 0 : i32
    %scan3A_26 = arith.constant 0 : i32
    %scan3A_27 = arith.constant 5 : i32
    %scan3A_28 = arith.addi %scan3A_26, %scan3A_27 : i32
    %scan3A_29 = arith.constant 1 : i32
    %scan3A_30 = scf.for %scan3A_32 = %scan3A_26 to %scan3A_28 step %scan3A_29 iter_args(%scan3A_33 = %scan3A_25) -> (i32)  : i32 {
      %mul3A_34 = arith.constant 128 : i32
      %mul3A_35 = arith.muli %scan3A_32, %mul3A_34 : i32
      %add3A_36 = arith.addi %mul3A_2, %mul3A_35 : i32
      "tpu.region"() ({
        %run_scoped3A = tpu.sem_alloc : memref<!tpu.dma_semaphore, #tpu.memory_space<semaphore_mem>>
        %dma_start3A = arith.constant 0 : i32
        %dma_start3A_38 = tpu.memref_slice %arg5[%arg0, %add3A_36, %dma_start3A] : memref<2x10240x128xbf16, #tpu.memory_space<hbm>> -> memref<1x128x128xbf16, #tpu.memory_space<hbm>>
        %dma_start3A_39 = tpu.memref_squeeze %dma_start3A_38 : memref<1x128x128xbf16, #tpu.memory_space<hbm>> -> memref<128x128xbf16, #tpu.memory_space<hbm>>
        %dma_start3A_40 = arith.constant 0 : i32
        %dma_start3A_41 = tpu.memref_slice %arg9[%add3A_36, %dma_start3A_40] : memref<10240x128xbf16, #tpu.memory_space<vmem_shared>> -> memref<128x128xbf16, #tpu.memory_space<vmem_shared>>
        tpu.enqueue_dma source(%dma_start3A_41 : memref<128x128xbf16, #tpu.memory_space<vmem_shared>>) target(%dma_start3A_39 : memref<128x128xbf16, #tpu.memory_space<hbm>>) target_semaphore(%run_scoped3A : memref<!tpu.dma_semaphore, #tpu.memory_space<semaphore_mem>>)
        %dma_wait3A = arith.constant 0 : i32
        %dma_wait3A_42 = tpu.memref_slice %arg5[%arg0, %add3A_36, %dma_wait3A] : memref<2x10240x128xbf16, #tpu.memory_space<hbm>> -> memref<1x128x128xbf16, #tpu.memory_space<hbm>>
        %dma_wait3A_43 = tpu.memref_squeeze %dma_wait3A_42 : memref<1x128x128xbf16, #tpu.memory_space<hbm>> -> memref<128x128xbf16, #tpu.memory_space<hbm>>
        %dma_wait3A_44 = arith.constant 0 : i32
        %dma_wait3A_45 = tpu.memref_slice %arg9[%add3A_36, %dma_wait3A_44] : memref<10240x128xbf16, #tpu.memory_space<vmem_shared>> -> memref<128x128xbf16, #tpu.memory_space<vmem_shared>>
        tpu.wait_dma2 semaphore(%run_scoped3A : memref<!tpu.dma_semaphore, #tpu.memory_space<semaphore_mem>>) src(%dma_wait3A_45 : memref<128x128xbf16, #tpu.memory_space<vmem_shared>>) dst(%dma_wait3A_43 : memref<128x128xbf16, #tpu.memory_space<hbm>>)
        tpu.yield
      }) : () -> ()
      %scan3A_37 = arith.constant 0 : i32
      scf.yield %scan3A_37 : i32
    }
    %scan3A_31 = arith.constant 5 : i32
    return
  }
}

#map = affine_map<(d0, d1) -> (0, 0)>
#map1 = affine_map<(d0, d1) -> (0, 0, 0)>
module attributes {stable_mosaic.version = 14 : i64} {
  func.func @k(%arg0: i32, %arg1: i32, %arg2: memref<10000x16xf32, #tpu.memory_space<hbm>>, %arg3: memref<32x79x128xi32, #tpu.memory_space<hbm>>, %arg4: memref<32x79x128xi32, #tpu.memory_space<hbm>>, %arg5: memref<2x10240x16xf32, #tpu.memory_space<hbm>>, %arg6: memref<79x128xi32, #tpu.memory_space<vmem>>, %arg7: memref<79x128xi32, #tpu.memory_space<vmem>>, %arg8: memref<128x16xf32, #tpu.memory_space<vmem>>, %arg9: memref<10240x16xf32, #tpu.memory_space<vmem_shared>>, %arg10: memref<!tpu.dma_semaphore, #tpu.memory_space<semaphore_mem>>) attributes {dimension_semantics = [#tpu.dimension_semantics<core_parallel>, #tpu.dimension_semantics<subcore_parallel>], iteration_bounds = array<i64: 2, 16>, scalar_prefetch = 0 : i64, scratch_operands = 5 : i64, tpu.core_type = #tpu.core_type<sc_vector_subcore>, window_params = [{transform_indices = #map}, {transform_indices = #map1}, {transform_indices = #map1}, {transform_indices = #map1}]} {
    %mul3A = arith.constant 2 : i32
    %mul3A_0 = arith.muli %arg1, %mul3A : i32
    %add3A = arith.addi %mul3A_0, %arg0 : i32
    %mul3A_1 = arith.constant 640 : i32
    %mul3A_2 = arith.muli %arg1, %mul3A_1 : i32
    %broadcast_in_dim3A = arith.constant 0.000000e+00 : f32
    %broadcast_in_dim3A_3 = vector.broadcast %broadcast_in_dim3A : f32 to vector<16xf32>
    %scan3A = arith.constant 0 : i32
    %scan3A_4 = arith.constant 0 : i32
    %scan3A_5 = arith.constant 128 : i32
    %scan3A_6 = arith.addi %scan3A_4, %scan3A_5 : i32
    %scan3A_7 = arith.constant 1 : i32
    %scan3A_8 = scf.for %scan3A_32 = %scan3A_4 to %scan3A_6 step %scan3A_7 iter_args(%scan3A_33 = %scan3A) -> (i32)  : i32 {
      %scan3A_34 = arith.constant 0 : i32
      %scan3A_35 = arith.constant 0 : i32
      %mul3A_36 = arith.constant 16 : i32
      %mul3A_37 = arith.muli %scan3A_35, %mul3A_36 : i32
      %swap3A = arith.index_cast %scan3A_32 : i32 to index
      %swap3A_38 = arith.index_cast %mul3A_37 : i32 to index
      %swap3A_39 = tpu.vector_load %arg8[%swap3A, %swap3A_38] {strides = array<i32>} : memref<128x16xf32, #tpu.memory_space<vmem>>, vector<1x16xf32>,
      %swap3A_40 = vector.shape_cast %swap3A_39 : vector<1x16xf32> to vector<16xf32>
      %swap3A_41 = vector.shape_cast %broadcast_in_dim3A_3 : vector<16xf32> to vector<1x16xf32>
      tpu.vector_store %arg8[%swap3A, %swap3A_38], %swap3A_41 {strides = array<i32>} : memref<128x16xf32, #tpu.memory_space<vmem>>, vector<1x16xf32>,
      %scan3A_42 = arith.constant 0 : i32
      %scan3A_43 = arith.constant 1 : i32
      scf.yield %scan3A_42 : i32
    }
    %scan3A_9 = arith.constant 128 : i32
    %scan3A_10 = arith.constant 0 : i32
    %scan3A_11 = arith.constant 0 : i32
    %scan3A_12 = arith.constant 5 : i32
    %scan3A_13 = arith.addi %scan3A_11, %scan3A_12 : i32
    %scan3A_14 = arith.constant 1 : i32
    %scan3A_15 = scf.for %scan3A_32 = %scan3A_11 to %scan3A_13 step %scan3A_14 iter_args(%scan3A_33 = %scan3A_10) -> (i32)  : i32 {
      %mul3A_34 = arith.constant 128 : i32
      %mul3A_35 = arith.muli %scan3A_32, %mul3A_34 : i32
      %add3A_36 = arith.addi %mul3A_2, %mul3A_35 : i32
      "tpu.region"() ({
        %run_scoped3A = tpu.sem_alloc : memref<!tpu.dma_semaphore, #tpu.memory_space<semaphore_mem>>
        %dma_start3A = arith.constant 0 : i32
        %dma_start3A_38 = tpu.memref_slice %arg9[%add3A_36, %dma_start3A] : memref<10240x16xf32, #tpu.memory_space<vmem_shared>> -> memref<128x16xf32, #tpu.memory_space<vmem_shared>>
        %dma_start3A_39 = arith.constant 0 : i32
        %dma_start3A_40 = tpu.memref_slice %arg9[%add3A_36, %dma_start3A_39] : memref<10240x16xf32, #tpu.memory_space<vmem_shared>> -> memref<128x16xf32, #tpu.memory_space<vmem_shared>>
        tpu.enqueue_dma source(%arg8 : memref<128x16xf32, #tpu.memory_space<vmem>>) target(%dma_start3A_40 : memref<128x16xf32, #tpu.memory_space<vmem_shared>>) target_semaphore(%run_scoped3A : memref<!tpu.dma_semaphore, #tpu.memory_space<semaphore_mem>>)
        %dma_wait3A = arith.constant 0 : i32
        %dma_wait3A_41 = tpu.memref_slice %arg9[%add3A_36, %dma_wait3A] : memref<10240x16xf32, #tpu.memory_space<vmem_shared>> -> memref<128x16xf32, #tpu.memory_space<vmem_shared>>
        %dma_wait3A_42 = arith.constant 0 : i32
        %dma_wait3A_43 = tpu.memref_slice %arg9[%add3A_36, %dma_wait3A_42] : memref<10240x16xf32, #tpu.memory_space<vmem_shared>> -> memref<128x16xf32, #tpu.memory_space<vmem_shared>>
        tpu.wait_dma2 semaphore(%run_scoped3A : memref<!tpu.dma_semaphore, #tpu.memory_space<semaphore_mem>>) src(%arg8 : memref<128x16xf32, #tpu.memory_space<vmem>>) dst(%dma_wait3A_43 : memref<128x16xf32, #tpu.memory_space<vmem_shared>>)
        tpu.yield
      }) : () -> ()
      %scan3A_37 = arith.constant 0 : i32
      scf.yield %scan3A_37 : i32
    }
    %scan3A_16 = arith.constant 5 : i32
    "tpu.region"() ({
      %run_scoped3A = tpu.sem_alloc : memref<!tpu.dma_semaphore, #tpu.memory_space<semaphore_mem>>
      %dma_start3A = arith.constant 0 : i32
      %dma_start3A_32 = arith.constant 0 : i32
      %dma_start3A_33 = tpu.memref_slice %arg3[%add3A, %dma_start3A, %dma_start3A_32] : memref<32x79x128xi32, #tpu.memory_space<hbm>> -> memref<1x79x128xi32, #tpu.memory_space<hbm>>
      %dma_start3A_34 = tpu.memref_squeeze %dma_start3A_33 : memref<1x79x128xi32, #tpu.memory_space<hbm>> -> memref<79x128xi32, #tpu.memory_space<hbm>>
      %dma_start3A_35 = arith.constant 0 : i32
      %dma_start3A_36 = arith.constant 0 : i32
      %dma_start3A_37 = tpu.memref_slice %arg3[%add3A, %dma_start3A_35, %dma_start3A_36] : memref<32x79x128xi32, #tpu.memory_space<hbm>> -> memref<1x79x128xi32, #tpu.memory_space<hbm>>
      %dma_start3A_38 = tpu.memref_squeeze %dma_start3A_37 : memref<1x79x128xi32, #tpu.memory_space<hbm>> -> memref<79x128xi32, #tpu.memory_space<hbm>>
      tpu.enqueue_dma source(%dma_start3A_38 : memref<79x128xi32, #tpu.memory_space<hbm>>) target(%arg6 : memref<79x128xi32, #tpu.memory_space<vmem>>) target_semaphore(%run_scoped3A : memref<!tpu.dma_semaphore, #tpu.memory_space<semaphore_mem>>)
      %dma_wait3A = arith.constant 0 : i32
      %dma_wait3A_39 = arith.constant 0 : i32
      %dma_wait3A_40 = tpu.memref_slice %arg3[%add3A, %dma_wait3A, %dma_wait3A_39] : memref<32x79x128xi32, #tpu.memory_space<hbm>> -> memref<1x79x128xi32, #tpu.memory_space<hbm>>
      %dma_wait3A_41 = tpu.memref_squeeze %dma_wait3A_40 : memref<1x79x128xi32, #tpu.memory_space<hbm>> -> memref<79x128xi32, #tpu.memory_space<hbm>>
      %dma_wait3A_42 = arith.constant 0 : i32
      %dma_wait3A_43 = arith.constant 0 : i32
      %dma_wait3A_44 = tpu.memref_slice %arg3[%add3A, %dma_wait3A_42, %dma_wait3A_43] : memref<32x79x128xi32, #tpu.memory_space<hbm>> -> memref<1x79x128xi32, #tpu.memory_space<hbm>>
      %dma_wait3A_45 = tpu.memref_squeeze %dma_wait3A_44 : memref<1x79x128xi32, #tpu.memory_space<hbm>> -> memref<79x128xi32, #tpu.memory_space<hbm>>
      tpu.wait_dma2 semaphore(%run_scoped3A : memref<!tpu.dma_semaphore, #tpu.memory_space<semaphore_mem>>) src(%dma_wait3A_45 : memref<79x128xi32, #tpu.memory_space<hbm>>) dst(%arg6 : memref<79x128xi32, #tpu.memory_space<vmem>>)
      tpu.yield
    }) : () -> ()
    "tpu.region"() ({
      %run_scoped3A = tpu.sem_alloc : memref<!tpu.dma_semaphore, #tpu.memory_space<semaphore_mem>>
      %dma_start3A = arith.constant 0 : i32
      %dma_start3A_32 = arith.constant 0 : i32
      %dma_start3A_33 = tpu.memref_slice %arg4[%add3A, %dma_start3A, %dma_start3A_32] : memref<32x79x128xi32, #tpu.memory_space<hbm>> -> memref<1x79x128xi32, #tpu.memory_space<hbm>>
      %dma_start3A_34 = tpu.memref_squeeze %dma_start3A_33 : memref<1x79x128xi32, #tpu.memory_space<hbm>> -> memref<79x128xi32, #tpu.memory_space<hbm>>
      %dma_start3A_35 = arith.constant 0 : i32
      %dma_start3A_36 = arith.constant 0 : i32
      %dma_start3A_37 = tpu.memref_slice %arg4[%add3A, %dma_start3A_35, %dma_start3A_36] : memref<32x79x128xi32, #tpu.memory_space<hbm>> -> memref<1x79x128xi32, #tpu.memory_space<hbm>>
      %dma_start3A_38 = tpu.memref_squeeze %dma_start3A_37 : memref<1x79x128xi32, #tpu.memory_space<hbm>> -> memref<79x128xi32, #tpu.memory_space<hbm>>
      tpu.enqueue_dma source(%dma_start3A_38 : memref<79x128xi32, #tpu.memory_space<hbm>>) target(%arg7 : memref<79x128xi32, #tpu.memory_space<vmem>>) target_semaphore(%run_scoped3A : memref<!tpu.dma_semaphore, #tpu.memory_space<semaphore_mem>>)
      %dma_wait3A = arith.constant 0 : i32
      %dma_wait3A_39 = arith.constant 0 : i32
      %dma_wait3A_40 = tpu.memref_slice %arg4[%add3A, %dma_wait3A, %dma_wait3A_39] : memref<32x79x128xi32, #tpu.memory_space<hbm>> -> memref<1x79x128xi32, #tpu.memory_space<hbm>>
      %dma_wait3A_41 = tpu.memref_squeeze %dma_wait3A_40 : memref<1x79x128xi32, #tpu.memory_space<hbm>> -> memref<79x128xi32, #tpu.memory_space<hbm>>
      %dma_wait3A_42 = arith.constant 0 : i32
      %dma_wait3A_43 = arith.constant 0 : i32
      %dma_wait3A_44 = tpu.memref_slice %arg4[%add3A, %dma_wait3A_42, %dma_wait3A_43] : memref<32x79x128xi32, #tpu.memory_space<hbm>> -> memref<1x79x128xi32, #tpu.memory_space<hbm>>
      %dma_wait3A_45 = tpu.memref_squeeze %dma_wait3A_44 : memref<1x79x128xi32, #tpu.memory_space<hbm>> -> memref<79x128xi32, #tpu.memory_space<hbm>>
      tpu.wait_dma2 semaphore(%run_scoped3A : memref<!tpu.dma_semaphore, #tpu.memory_space<semaphore_mem>>) src(%dma_wait3A_45 : memref<79x128xi32, #tpu.memory_space<hbm>>) dst(%arg7 : memref<79x128xi32, #tpu.memory_space<vmem>>)
      tpu.yield
    }) : () -> ()
    %barrier3A = arith.constant 0 : index
    tpu.barrier barrier_id(%barrier3A)
    %scan3A_17 = arith.constant 0 : i32
    %scan3A_18 = arith.constant 0 : i32
    %scan3A_19 = arith.constant 79 : i32
    %scan3A_20 = arith.addi %scan3A_18, %scan3A_19 : i32
    %scan3A_21 = arith.constant 1 : i32
    %scan3A_22 = scf.for %scan3A_32 = %scan3A_18 to %scan3A_20 step %scan3A_21 iter_args(%scan3A_33 = %scan3A_17) -> (i32)  : i32 {
      %dma_start3A = arith.constant 0 : i32
      %dma_start3A_34 = tpu.memref_slice %arg6[%scan3A_32, %dma_start3A] : memref<79x128xi32, #tpu.memory_space<vmem>> -> memref<1x128xi32, #tpu.memory_space<vmem>>
      %dma_start3A_35 = tpu.memref_squeeze %dma_start3A_34 : memref<1x128xi32, #tpu.memory_space<vmem>> -> memref<128xi32, #tpu.memory_space<vmem>>
      %dma_start3A_36 = arith.constant 0 : i32
      %dma_start3A_37 = arith.constant 0 : i32
      %dma_start3A_38 = tpu.memref_slice %arg2[%dma_start3A_36, %dma_start3A_37] : memref<10000x16xf32, #tpu.memory_space<hbm>> -> memref<10000x16xf32, #tpu.memory_space<hbm>>
      tpu.enqueue_indirect_dma source(%dma_start3A_38 : memref<10000x16xf32, #tpu.memory_space<hbm>>) target(%arg8 : memref<128x16xf32, #tpu.memory_space<vmem>>) offsets(%dma_start3A_35 : memref<128xi32, #tpu.memory_space<vmem>>) semaphore(%arg10 : memref<!tpu.dma_semaphore, #tpu.memory_space<semaphore_mem>>)
      %dma_wait3A = arith.constant 0 : i32
      %dma_wait3A_39 = tpu.memref_slice %arg6[%scan3A_32, %dma_wait3A] : memref<79x128xi32, #tpu.memory_space<vmem>> -> memref<1x128xi32, #tpu.memory_space<vmem>>
      %dma_wait3A_40 = tpu.memref_squeeze %dma_wait3A_39 : memref<1x128xi32, #tpu.memory_space<vmem>> -> memref<128xi32, #tpu.memory_space<vmem>>
      %dma_wait3A_41 = arith.constant 0 : i32
      %dma_wait3A_42 = arith.constant 0 : i32
      %dma_wait3A_43 = tpu.memref_slice %arg2[%dma_wait3A_41, %dma_wait3A_42] : memref<10000x16xf32, #tpu.memory_space<hbm>> -> memref<10000x16xf32, #tpu.memory_space<hbm>>
      tpu.wait_indirect_dma semaphore(%arg10 : memref<!tpu.dma_semaphore, #tpu.memory_space<semaphore_mem>>) src(%dma_wait3A_43 : memref<10000x16xf32, #tpu.memory_space<hbm>>) dst(%arg8 : memref<128x16xf32, #tpu.memory_space<vmem>>)
      "tpu.region"() ({
        %run_scoped3A = tpu.sem_alloc : memref<!tpu.dma_semaphore, #tpu.memory_space<semaphore_mem>>
        %dma_start3A_45 = arith.constant 0 : i32
        %dma_start3A_46 = tpu.memref_slice %arg7[%scan3A_32, %dma_start3A_45] : memref<79x128xi32, #tpu.memory_space<vmem>> -> memref<1x128xi32, #tpu.memory_space<vmem>>
        %dma_start3A_47 = tpu.memref_squeeze %dma_start3A_46 : memref<1x128xi32, #tpu.memory_space<vmem>> -> memref<128xi32, #tpu.memory_space<vmem>>
        %dma_start3A_48 = arith.constant 0 : i32
        %dma_start3A_49 = arith.constant 0 : i32
        %dma_start3A_50 = tpu.memref_slice %arg9[%dma_start3A_48, %dma_start3A_49] : memref<10240x16xf32, #tpu.memory_space<vmem_shared>> -> memref<10240x16xf32, #tpu.memory_space<vmem_shared>>
        tpu.enqueue_indirect_dma source(%arg8 : memref<128x16xf32, #tpu.memory_space<vmem>>) target(%dma_start3A_50 : memref<10240x16xf32, #tpu.memory_space<vmem_shared>>) offsets(%dma_start3A_47 : memref<128xi32, #tpu.memory_space<vmem>>) semaphore(%run_scoped3A : memref<!tpu.dma_semaphore, #tpu.memory_space<semaphore_mem>>) {add = true}
        %dma_wait3A_51 = arith.constant 0 : i32
        %dma_wait3A_52 = tpu.memref_slice %arg7[%scan3A_32, %dma_wait3A_51] : memref<79x128xi32, #tpu.memory_space<vmem>> -> memref<1x128xi32, #tpu.memory_space<vmem>>
        %dma_wait3A_53 = tpu.memref_squeeze %dma_wait3A_52 : memref<1x128xi32, #tpu.memory_space<vmem>> -> memref<128xi32, #tpu.memory_space<vmem>>
        %dma_wait3A_54 = arith.constant 0 : i32
        %dma_wait3A_55 = arith.constant 0 : i32
        %dma_wait3A_56 = tpu.memref_slice %arg9[%dma_wait3A_54, %dma_wait3A_55] : memref<10240x16xf32, #tpu.memory_space<vmem_shared>> -> memref<10240x16xf32, #tpu.memory_space<vmem_shared>>
        tpu.wait_indirect_dma semaphore(%run_scoped3A : memref<!tpu.dma_semaphore, #tpu.memory_space<semaphore_mem>>) src(%arg8 : memref<128x16xf32, #tpu.memory_space<vmem>>) dst(%dma_wait3A_56 : memref<10240x16xf32, #tpu.memory_space<vmem_shared>>)
        tpu.yield
      }) : () -> ()
      %scan3A_44 = arith.constant 0 : i32
      scf.yield %scan3A_44 : i32
    }
    %scan3A_23 = arith.constant 79 : i32
    %barrier3A_24 = arith.constant 0 : index
    tpu.barrier barrier_id(%barrier3A_24)
    %scan3A_25 = arith.constant 0 : i32
    %scan3A_26 = arith.constant 0 : i32
    %scan3A_27 = arith.constant 5 : i32
    %scan3A_28 = arith.addi %scan3A_26, %scan3A_27 : i32
    %scan3A_29 = arith.constant 1 : i32
    %scan3A_30 = scf.for %scan3A_32 = %scan3A_26 to %scan3A_28 step %scan3A_29 iter_args(%scan3A_33 = %scan3A_25) -> (i32)  : i32 {
      %mul3A_34 = arith.constant 128 : i32
      %mul3A_35 = arith.muli %scan3A_32, %mul3A_34 : i32
      %add3A_36 = arith.addi %mul3A_2, %mul3A_35 : i32
      "tpu.region"() ({
        %run_scoped3A = tpu.sem_alloc : memref<!tpu.dma_semaphore, #tpu.memory_space<semaphore_mem>>
        %dma_start3A = arith.constant 0 : i32
        %dma_start3A_38 = tpu.memref_slice %arg5[%arg0, %add3A_36, %dma_start3A] : memref<2x10240x16xf32, #tpu.memory_space<hbm>> -> memref<1x128x16xf32, #tpu.memory_space<hbm>>
        %dma_start3A_39 = tpu.memref_squeeze %dma_start3A_38 : memref<1x128x16xf32, #tpu.memory_space<hbm>> -> memref<128x16xf32, #tpu.memory_space<hbm>>
        %dma_start3A_40 = arith.constant 0 : i32
        %dma_start3A_41 = tpu.memref_slice %arg9[%add3A_36, %dma_start3A_40] : memref<10240x16xf32, #tpu.memory_space<vmem_shared>> -> memref<128x16xf32, #tpu.memory_space<vmem_shared>>
        tpu.enqueue_dma source(%dma_start3A_41 : memref<128x16xf32, #tpu.memory_space<vmem_shared>>) target(%dma_start3A_39 : memref<128x16xf32, #tpu.memory_space<hbm>>) target_semaphore(%run_scoped3A : memref<!tpu.dma_semaphore, #tpu.memory_space<semaphore_mem>>)
        %dma_wait3A = arith.constant 0 : i32
        %dma_wait3A_42 = tpu.memref_slice %arg5[%arg0, %add3A_36, %dma_wait3A] : memref<2x10240x16xf32, #tpu.memory_space<hbm>> -> memref<1x128x16xf32, #tpu.memory_space<hbm>>
        %dma_wait3A_43 = tpu.memref_squeeze %dma_wait3A_42 : memref<1x128x16xf32, #tpu.memory_space<hbm>> -> memref<128x16xf32, #tpu.memory_space<hbm>>
        %dma_wait3A_44 = arith.constant 0 : i32
        %dma_wait3A_45 = tpu.memref_slice %arg9[%add3A_36, %dma_wait3A_44] : memref<10240x16xf32, #tpu.memory_space<vmem_shared>> -> memref<128x16xf32, #tpu.memory_space<vmem_shared>>
        tpu.wait_dma2 semaphore(%run_scoped3A : memref<!tpu.dma_semaphore, #tpu.memory_space<semaphore_mem>>) src(%dma_wait3A_45 : memref<128x16xf32, #tpu.memory_space<vmem_shared>>) dst(%dma_wait3A_43 : memref<128x16xf32, #tpu.memory_space<hbm>>)
        tpu.yield
      }) : () -> ()
      %scan3A_37 = arith.constant 0 : i32
      scf.yield %scan3A_37 : i32
    }
    %scan3A_31 = arith.constant 5 : i32
    return
  }
}

module attributes {stable_mosaic.version = 14 : i64} {
  func.func @_mm_body(%arg0: i32, %arg1: memref<2000x128xf32, #tpu.memory_space<vmem>>, %arg2: memref<128x128xf32, #tpu.memory_space<vmem>>, %arg3: memref<2000x128xf32, #tpu.memory_space<vmem>>) attributes {dimension_semantics = [#tpu.dimension_semantics<arbitrary>], iteration_bounds = array<i64: 5>, scalar_prefetch = 0 : i64, scratch_operands = 0 : i64, tpu.core_type = #tpu.core_type<tc>, window_params = [{transform_indices = @transform_0, window_bounds = array<i64: 2000, 128>}, {pipeline_mode = #tpu.pipeline_mode<synchronous>, transform_indices = @transform_1, window_bounds = array<i64: 128, 128>}, {transform_indices = @transform_2, window_bounds = array<i64: 2000, 128>}]} {
    %get3A = arith.constant 0 : index
    %get3A_0 = arith.constant 0 : index
    %get3A_1 = vector.load %arg1[%get3A, %get3A_0] : memref<2000x128xf32, #tpu.memory_space<vmem>>, vector<2000x128xf32>
    %get3A_2 = arith.constant 0 : index
    %get3A_3 = arith.constant 0 : index
    %get3A_4 = vector.load %arg2[%get3A_2, %get3A_3] : memref<128x128xf32, #tpu.memory_space<vmem>>, vector<128x128xf32>
    %dot_general3A = arith.constant dense<0.000000e+00> : vector<2000x128xf32>
    %dot_general3A_5 = tpu.matmul %get3A_1, %get3A_4, %dot_general3A {dimension_numbers = #tpu.dot_dimension_numbers<[1], [0], [0], [1], [0, 0, 1, 1], [], []>, transpose_lhs_hint = false} : vector<2000x128xf32>, vector<128x128xf32>, vector<2000x128xf32> -> vector<2000x128xf32>
    %swap3A = arith.constant 0 : index
    %swap3A_6 = arith.constant 0 : index
    %swap3A_7 = vector.load %arg3[%swap3A, %swap3A_6] : memref<2000x128xf32, #tpu.memory_space<vmem>>, vector<2000x128xf32>
    tpu.vector_store %arg3[%swap3A, %swap3A_6], %dot_general3A_5 {strides = array<i32>} : memref<2000x128xf32, #tpu.memory_space<vmem>>, vector<2000x128xf32>,
    return
  }
  func.func @transform_0(%arg0: i32) -> (i32, i32) {
    %c0_i32 = arith.constant 0 : i32
    %c0_i32_0 = arith.constant 0 : i32
    return %arg0, %c0_i32 : i32, i32
  }
  func.func @transform_1(%arg0: i32) -> (i32, i32) {
    %c0_i32 = arith.constant 0 : i32
    %c0_i32_0 = arith.constant 0 : i32
    %c0_i32_1 = arith.constant 0 : i32
    return %c0_i32, %c0_i32_0 : i32, i32
  }
  func.func @transform_2(%arg0: i32) -> (i32, i32) {
    %c0_i32 = arith.constant 0 : i32
    %c0_i32_0 = arith.constant 0 : i32
    return %arg0, %c0_i32 : i32, i32
  }
}

module attributes {stable_mosaic.version = 14 : i64} {
  func.func @_scale_body(%arg0: i32, %arg1: memref<2000x128xf32, #tpu.memory_space<vmem>>, %arg2: memref<2x2000x16xf32, #tpu.memory_space<vmem>>, %arg3: memref<2000x128xbf16, #tpu.memory_space<vmem>>, %arg4: memref<2000x1xf32, #tpu.memory_space<vmem>>) attributes {dimension_semantics = [#tpu.dimension_semantics<arbitrary>], iteration_bounds = array<i64: 5>, scalar_prefetch = 0 : i64, scratch_operands = 0 : i64, tpu.core_type = #tpu.core_type<tc>, window_params = [{transform_indices = @transform_0, window_bounds = array<i64: 2000, 128>}, {transform_indices = @transform_1, window_bounds = array<i64: 2, 2000, 16>}, {transform_indices = @transform_2, window_bounds = array<i64: 2000, 128>}, {transform_indices = @transform_3, window_bounds = array<i64: 2000, 1>}]} {
    %get3A = arith.constant 0 : index
    %get3A_0 = arith.constant 0 : index
    %get3A_1 = arith.constant 0 : index
    %get3A_2 = vector.load %arg2[%get3A, %get3A_0, %get3A_1] : memref<2x2000x16xf32, #tpu.memory_space<vmem>>, vector<1x2000x16xf32>
    %get3A_3 = vector.shape_cast %get3A_2 : vector<1x2000x16xf32> to vector<2000x16xf32>
    %slice3A = vector.extract_strided_slice %get3A_3 {offsets = [0, 0], sizes = [2000, 1], strides = [1, 1]} : vector<2000x16xf32> to vector<2000x1xf32>
    %get3A_4 = arith.constant 1 : index
    %get3A_5 = arith.constant 0 : index
    %get3A_6 = arith.constant 0 : index
    %get3A_7 = vector.load %arg2[%get3A_4, %get3A_5, %get3A_6] : memref<2x2000x16xf32, #tpu.memory_space<vmem>>, vector<1x2000x16xf32>
    %get3A_8 = vector.shape_cast %get3A_7 : vector<1x2000x16xf32> to vector<2000x16xf32>
    %slice3A_9 = vector.extract_strided_slice %get3A_8 {offsets = [0, 0], sizes = [2000, 1], strides = [1, 1]} : vector<2000x16xf32> to vector<2000x1xf32>
    %add3A = arith.addf %slice3A, %slice3A_9 : vector<2000x1xf32>
    %add3A_10 = arith.constant 1.000000e+00 : f32
    %add3A_11 = vector.broadcast %add3A_10 : f32 to vector<2000x1xf32>
    %add3A_12 = arith.addf %add3A, %add3A_11 : vector<2000x1xf32>
    %rsqrt3A = math.rsqrt %add3A_12 : vector<2000x1xf32>
    %get3A_13 = arith.constant 0 : index
    %get3A_14 = arith.constant 0 : index
    %get3A_15 = vector.load %arg1[%get3A_13, %get3A_14] : memref<2000x128xf32, #tpu.memory_space<vmem>>, vector<2000x128xf32>
    %mul3A = vector.broadcast %rsqrt3A : vector<2000x1xf32> to vector<2000x128xf32>
    %mul3A_16 = arith.mulf %get3A_15, %mul3A : vector<2000x128xf32>
    %convert_element_type3A = arith.truncf %mul3A_16 : vector<2000x128xf32> to vector<2000x128xbf16>
    %swap3A = arith.constant 0 : index
    %swap3A_17 = arith.constant 0 : index
    %swap3A_18 = vector.load %arg3[%swap3A, %swap3A_17] : memref<2000x128xbf16, #tpu.memory_space<vmem>>, vector<2000x128xbf16>
    tpu.vector_store %arg3[%swap3A, %swap3A_17], %convert_element_type3A {strides = array<i32>} : memref<2000x128xbf16, #tpu.memory_space<vmem>>, vector<2000x128xbf16>,
    %swap3A_19 = arith.constant 0 : index
    %swap3A_20 = arith.constant 0 : index
    %swap3A_21 = vector.load %arg4[%swap3A_19, %swap3A_20] : memref<2000x1xf32, #tpu.memory_space<vmem>>, vector<2000x1xf32>
    tpu.vector_store %arg4[%swap3A_19, %swap3A_20], %rsqrt3A {strides = array<i32>} : memref<2000x1xf32, #tpu.memory_space<vmem>>, vector<2000x1xf32>,
    return
  }
  func.func @transform_0(%arg0: i32) -> (i32, i32) {
    %c0_i32 = arith.constant 0 : i32
    %c0_i32_0 = arith.constant 0 : i32
    return %arg0, %c0_i32 : i32, i32
  }
  func.func @transform_1(%arg0: i32) -> (i32, i32, i32) {
    %c0_i32 = arith.constant 0 : i32
    %c0_i32_0 = arith.constant 0 : i32
    %c0_i32_1 = arith.constant 0 : i32
    return %c0_i32, %arg0, %c0_i32_0 : i32, i32, i32
  }
  func.func @transform_2(%arg0: i32) -> (i32, i32) {
    %c0_i32 = arith.constant 0 : i32
    %c0_i32_0 = arith.constant 0 : i32
    return %arg0, %c0_i32 : i32, i32
  }
  func.func @transform_3(%arg0: i32) -> (i32, i32) {
    %c0_i32 = arith.constant 0 : i32
    %c0_i32_0 = arith.constant 0 : i32
    return %arg0, %c0_i32 : i32, i32
  }
}

module attributes {stable_mosaic.version = 14 : i64} {
  func.func @_mid_body(%arg0: i32, %arg1: memref<2x2000x128xbf16, #tpu.memory_space<vmem>>, %arg2: memref<2000x128xbf16, #tpu.memory_space<vmem>>, %arg3: memref<2000x1xf32, #tpu.memory_space<vmem>>, %arg4: memref<1x128xf32, #tpu.memory_space<vmem>>, %arg5: memref<128x16xf32, #tpu.memory_space<vmem>>, %arg6: memref<2000x16xf32, #tpu.memory_space<vmem>>) attributes {dimension_semantics = [#tpu.dimension_semantics<arbitrary>], iteration_bounds = array<i64: 5>, scalar_prefetch = 0 : i64, scratch_operands = 0 : i64, tpu.core_type = #tpu.core_type<tc>, window_params = [{transform_indices = @transform_0, window_bounds = array<i64: 2, 2000, 128>}, {transform_indices = @transform_1, window_bounds = array<i64: 2000, 128>}, {transform_indices = @transform_2, window_bounds = array<i64: 2000, 1>}, {pipeline_mode = #tpu.pipeline_mode<synchronous>, transform_indices = @transform_3, window_bounds = array<i64: 1, 128>}, {pipeline_mode = #tpu.pipeline_mode<synchronous>, transform_indices = @transform_4, window_bounds = array<i64: 128, 16>}, {transform_indices = @transform_5, window_bounds = array<i64: 2000, 16>}]} {
    %get3A = arith.constant 0 : index
    %get3A_0 = arith.constant 0 : index
    %get3A_1 = arith.constant 0 : index
    %get3A_2 = vector.load %arg1[%get3A, %get3A_0, %get3A_1] : memref<2x2000x128xbf16, #tpu.memory_space<vmem>>, vector<1x2000x128xbf16>
    %get3A_3 = vector.shape_cast %get3A_2 : vector<1x2000x128xbf16> to vector<2000x128xbf16>
    %convert_element_type3A = arith.extf %get3A_3 : vector<2000x128xbf16> to vector<2000x128xf32>
    %get3A_4 = arith.constant 1 : index
    %get3A_5 = arith.constant 0 : index
    %get3A_6 = arith.constant 0 : index
    %get3A_7 = vector.load %arg1[%get3A_4, %get3A_5, %get3A_6] : memref<2x2000x128xbf16, #tpu.memory_space<vmem>>, vector<1x2000x128xbf16>
    %get3A_8 = vector.shape_cast %get3A_7 : vector<1x2000x128xbf16> to vector<2000x128xbf16>
    %convert_element_type3A_9 = arith.extf %get3A_8 : vector<2000x128xbf16> to vector<2000x128xf32>
    %add3A = arith.addf %convert_element_type3A, %convert_element_type3A_9 : vector<2000x128xf32>
    %get3A_10 = arith.constant 0 : index
    %get3A_11 = arith.constant 0 : index
    %get3A_12 = vector.load %arg2[%get3A_10, %get3A_11] : memref<2000x128xbf16, #tpu.memory_space<vmem>>, vector<2000x128xbf16>
    %convert_element_type3A_13 = arith.extf %get3A_12 : vector<2000x128xbf16> to vector<2000x128xf32>
    %add3A_14 = arith.addf %add3A, %convert_element_type3A_13 : vector<2000x128xf32>
    %get3A_15 = arith.constant 0 : index
    %get3A_16 = arith.constant 0 : index
    %get3A_17 = vector.load %arg3[%get3A_15, %get3A_16] : memref<2000x1xf32, #tpu.memory_space<vmem>>, vector<2000x1xf32>
    %mul3A = vector.broadcast %get3A_17 : vector<2000x1xf32> to vector<2000x128xf32>
    %mul3A_18 = arith.mulf %add3A_14, %mul3A : vector<2000x128xf32>
    %get3A_19 = arith.constant 0 : index
    %get3A_20 = arith.constant 0 : index
    %get3A_21 = vector.load %arg4[%get3A_19, %get3A_20] : memref<1x128xf32, #tpu.memory_space<vmem>>, vector<1x128xf32>
    %add3A_22 = vector.broadcast %get3A_21 : vector<1x128xf32> to vector<2000x128xf32>
    %add3A_23 = arith.addf %mul3A_18, %add3A_22 : vector<2000x128xf32>
    %max3A = arith.constant 0.000000e+00 : f32
    %max3A_24 = vector.broadcast %max3A : f32 to vector<2000x128xf32>
    %max3A_25 = arith.maximumf %add3A_23, %max3A_24 : vector<2000x128xf32>
    %get3A_26 = arith.constant 0 : index
    %get3A_27 = arith.constant 0 : index
    %get3A_28 = vector.load %arg5[%get3A_26, %get3A_27] : memref<128x16xf32, #tpu.memory_space<vmem>>, vector<128x16xf32>
    %dot_general3A = arith.constant dense<0.000000e+00> : vector<2000x16xf32>
    %dot_general3A_29 = tpu.matmul %max3A_25, %get3A_28, %dot_general3A {dimension_numbers = #tpu.dot_dimension_numbers<[1], [0], [0], [1], [0, 0, 1, 1], [], []>, transpose_lhs_hint = false} : vector<2000x128xf32>, vector<128x16xf32>, vector<2000x16xf32> -> vector<2000x16xf32>
    %get3A_30 = arith.constant 0 : index
    %get3A_31 = arith.constant 0 : index
    %get3A_32 = vector.load %arg3[%get3A_30, %get3A_31] : memref<2000x1xf32, #tpu.memory_space<vmem>>, vector<2000x1xf32>
    %mul3A_33 = vector.broadcast %get3A_32 : vector<2000x1xf32> to vector<2000x16xf32>
    %mul3A_34 = arith.mulf %dot_general3A_29, %mul3A_33 : vector<2000x16xf32>
    %swap3A = arith.constant 0 : index
    %swap3A_35 = arith.constant 0 : index
    %swap3A_36 = vector.load %arg6[%swap3A, %swap3A_35] : memref<2000x16xf32, #tpu.memory_space<vmem>>, vector<2000x16xf32>
    tpu.vector_store %arg6[%swap3A, %swap3A_35], %mul3A_34 {strides = array<i32>} : memref<2000x16xf32, #tpu.memory_space<vmem>>, vector<2000x16xf32>,
    return
  }
  func.func @transform_0(%arg0: i32) -> (i32, i32, i32) {
    %c0_i32 = arith.constant 0 : i32
    %c0_i32_0 = arith.constant 0 : i32
    %c0_i32_1 = arith.constant 0 : i32
    return %c0_i32, %arg0, %c0_i32_0 : i32, i32, i32
  }
  func.func @transform_1(%arg0: i32) -> (i32, i32) {
    %c0_i32 = arith.constant 0 : i32
    %c0_i32_0 = arith.constant 0 : i32
    return %arg0, %c0_i32 : i32, i32
  }
  func.func @transform_2(%arg0: i32) -> (i32, i32) {
    %c0_i32 = arith.constant 0 : i32
    %c0_i32_0 = arith.constant 0 : i32
    return %arg0, %c0_i32 : i32, i32
  }
  func.func @transform_3(%arg0: i32) -> (i32, i32) {
    %c0_i32 = arith.constant 0 : i32
    %c0_i32_0 = arith.constant 0 : i32
    %c0_i32_1 = arith.constant 0 : i32
    return %c0_i32, %c0_i32_0 : i32, i32
  }
  func.func @transform_4(%arg0: i32) -> (i32, i32) {
    %c0_i32 = arith.constant 0 : i32
    %c0_i32_0 = arith.constant 0 : i32
    %c0_i32_1 = arith.constant 0 : i32
    return %c0_i32, %c0_i32_0 : i32, i32
  }
  func.func @transform_5(%arg0: i32) -> (i32, i32) {
    %c0_i32 = arith.constant 0 : i32
    %c0_i32_0 = arith.constant 0 : i32
    return %arg0, %c0_i32 : i32, i32
  }
}

module attributes {stable_mosaic.version = 14 : i64} {
  func.func @_out_body(%arg0: i32, %arg1: memref<2x2000x16xf32, #tpu.memory_space<vmem>>, %arg2: memref<2000x16xf32, #tpu.memory_space<vmem>>, %arg3: memref<2000x1xf32, #tpu.memory_space<vmem>>, %arg4: memref<1x16xf32, #tpu.memory_space<vmem>>, %arg5: memref<2000x16xf32, #tpu.memory_space<vmem>>) attributes {dimension_semantics = [#tpu.dimension_semantics<arbitrary>], iteration_bounds = array<i64: 5>, scalar_prefetch = 0 : i64, scratch_operands = 0 : i64, tpu.core_type = #tpu.core_type<tc>, window_params = [{transform_indices = @transform_0, window_bounds = array<i64: 2, 2000, 16>}, {transform_indices = @transform_1, window_bounds = array<i64: 2000, 16>}, {transform_indices = @transform_2, window_bounds = array<i64: 2000, 1>}, {pipeline_mode = #tpu.pipeline_mode<synchronous>, transform_indices = @transform_3, window_bounds = array<i64: 1, 16>}, {transform_indices = @transform_4, window_bounds = array<i64: 2000, 16>}]} {
    %get3A = arith.constant 0 : index
    %get3A_0 = arith.constant 0 : index
    %get3A_1 = arith.constant 0 : index
    %get3A_2 = vector.load %arg1[%get3A, %get3A_0, %get3A_1] : memref<2x2000x16xf32, #tpu.memory_space<vmem>>, vector<1x2000x16xf32>
    %get3A_3 = vector.shape_cast %get3A_2 : vector<1x2000x16xf32> to vector<2000x16xf32>
    %get3A_4 = arith.constant 1 : index
    %get3A_5 = arith.constant 0 : index
    %get3A_6 = arith.constant 0 : index
    %get3A_7 = vector.load %arg1[%get3A_4, %get3A_5, %get3A_6] : memref<2x2000x16xf32, #tpu.memory_space<vmem>>, vector<1x2000x16xf32>
    %get3A_8 = vector.shape_cast %get3A_7 : vector<1x2000x16xf32> to vector<2000x16xf32>
    %add3A = arith.addf %get3A_3, %get3A_8 : vector<2000x16xf32>
    %get3A_9 = arith.constant 0 : index
    %get3A_10 = arith.constant 0 : index
    %get3A_11 = vector.load %arg2[%get3A_9, %get3A_10] : memref<2000x16xf32, #tpu.memory_space<vmem>>, vector<2000x16xf32>
    %add3A_12 = arith.addf %add3A, %get3A_11 : vector<2000x16xf32>
    %get3A_13 = arith.constant 0 : index
    %get3A_14 = arith.constant 0 : index
    %get3A_15 = vector.load %arg3[%get3A_13, %get3A_14] : memref<2000x1xf32, #tpu.memory_space<vmem>>, vector<2000x1xf32>
    %mul3A = vector.broadcast %get3A_15 : vector<2000x1xf32> to vector<2000x16xf32>
    %mul3A_16 = arith.mulf %add3A_12, %mul3A : vector<2000x16xf32>
    %get3A_17 = arith.constant 0 : index
    %get3A_18 = arith.constant 0 : index
    %get3A_19 = vector.load %arg4[%get3A_17, %get3A_18] : memref<1x16xf32, #tpu.memory_space<vmem>>, vector<1x16xf32>
    %add3A_20 = vector.broadcast %get3A_19 : vector<1x16xf32> to vector<2000x16xf32>
    %add3A_21 = arith.addf %mul3A_16, %add3A_20 : vector<2000x16xf32>
    %swap3A = arith.constant 0 : index
    %swap3A_22 = arith.constant 0 : index
    %swap3A_23 = vector.load %arg5[%swap3A, %swap3A_22] : memref<2000x16xf32, #tpu.memory_space<vmem>>, vector<2000x16xf32>
    tpu.vector_store %arg5[%swap3A, %swap3A_22], %add3A_21 {strides = array<i32>} : memref<2000x16xf32, #tpu.memory_space<vmem>>, vector<2000x16xf32>,
    return
  }
  func.func @transform_0(%arg0: i32) -> (i32, i32, i32) {
    %c0_i32 = arith.constant 0 : i32
    %c0_i32_0 = arith.constant 0 : i32
    %c0_i32_1 = arith.constant 0 : i32
    return %c0_i32, %arg0, %c0_i32_0 : i32, i32, i32
  }
  func.func @transform_1(%arg0: i32) -> (i32, i32) {
    %c0_i32 = arith.constant 0 : i32
    %c0_i32_0 = arith.constant 0 : i32
    return %arg0, %c0_i32 : i32, i32
  }
  func.func @transform_2(%arg0: i32) -> (i32, i32) {
    %c0_i32 = arith.constant 0 : i32
    %c0_i32_0 = arith.constant 0 : i32
    return %arg0, %c0_i32 : i32, i32
  }
  func.func @transform_3(%arg0: i32) -> (i32, i32) {
    %c0_i32 = arith.constant 0 : i32
    %c0_i32_0 = arith.constant 0 : i32
    %c0_i32_1 = arith.constant 0 : i32
    return %c0_i32, %c0_i32_0 : i32, i32
  }
  func.func @transform_4(%arg0: i32) -> (i32, i32) {
    %c0_i32 = arith.constant 0 : i32
    %c0_i32_0 = arith.constant 0 : i32
    return %arg0, %c0_i32 : i32, i32
  }
}

</mosaic_0001>

<sc_bundles>
// kernel: kernel.12.cloned.1.call-start
scs
__scs_entry_jumppad:
0x0: {  	(pc) =	sbr.rel $0x88, $3  }
0x1: {  	(tag) =	ssettag $0x0;
	lr =	simm.s32 $0x1  }
0x2: {  	[smem:$0x3F9B] =	sst lr;
	_ =	strace $0xD0000000  }
0x3: {  	_ = 	snop  }
0x4: {  	_ = 	snop  }
0x5: {  	_ = 	snop  }
0x6: {  	_ = 	snop  }
0x7: {  	_ = 	snop  }
__scs_overlays_trampoline_lowered:
0x8: {  	[smem:$0x3FAA] =	sst s0  }
0x9: {  	[smem:$0x3FAB] =	sst s1  }
0xa: {  	[smem:$0x3FAC] =	sst s2  }
0xb: {  	[smem:$0x3FAD] =	sst s3  }
0xc: {  	[smem:$0x3FAE] =	sst s4  }
0xd: {  	[smem:$0x3FAF] =	sst s5  }
0xe: {  	[smem:$0x3FB0] =	sst s6  }
0xf: {  	[smem:$0x3FB1] =	sst s7  }
0x10: {  	[smem:$0x3FB2] =	sst s8  }
0x11: {  	[smem:$0x3FB3] =	sst s9;
	s0 =	simm.s32 @!p0 $0x0  }
0x12: {  	s1 =	sld [smem:$0x3F99];
	s0 =	simm.s32 @p0 $0x1  }
0x13: {  	[smem:$0x3FB4] =	sst s0;
	s0 =	simm.s32 @!p1 $0x0  }
0x14: {  	s2 =	sld [smem:$0x3F98];
	s0 =	simm.s32 @p1 $0x1  }
0x15: {  	[smem:$0x3FB5] =	sst s0;
	s0 =	simm.s32 @!p2 $0x0  }
0x16: {  	s3 =	sld [smem:$0x3FDB];
	s0 =	simm.s32 @p2 $0x1  }
0x17: {  	s4 =	simm.s32 $0x1BF5;
	[smem:$0x3FB7] =	sst s0  }
0x18: {  	s0 =	sld [smem:$0x3F9A];
	_ =	swait.ge [sflag:s4], $0x0  }
0x19: {  	s7 =	sld [smem:$0x3F9B]  }
0x1a: {  	s8 =	sadd.s32 $0xFFFFE003, lr  }
0x1b: {  	s9 =	sadd.s32 $0xFFFFFEF7, lr;
	s5 =	simm.s32 $0xFFFFFFFF;
	p2 =	slt.u32 s8, $0xFFFFF086  }
0x1c: {  	p1 =	slt.u32 s9, $0xF7A;
	s5 =	simm.s32 @!p2 $0x0  }
0x1d: {  	s5 =	simm.s32 @p1 $0x1;
	p0 =	seq.s32 s7, s2  }
0x1e: {  	s7 =	smul.u32 @!p0 $0xF7A, s2;
	p2 =	seq.s32 @!p0 s5, $0x0  }
0x1f: {  	s9 =	smul.u32 $0xF7A, s1;
	s8 =	simm.s32 @!p0 $0x1BF5;
	p2 =	por !p2, p0  }
0x20: {  	[sflag:s8] =	ssyncset.s32 @!p0 $0xFFFFF086;
	s6 =	sadd.s32 @!p0 s3, s7;
	s7 =	simm.s32 @!p0 $0x108  }
0x21: {  	s3 =	sadd.s32 s3, s9;
	s6 =	sadd.s32 @!p0 $0x88, s6;
	s7 =	simm.s32 @p2 $0x1082  }
0x22: {  	[simem:s7], [sflag:s8] =	dma.local @!p0 [hbm:s6], $0xF7A  }
0x23: {  	s9 =	sor.u32 $0xD0000000, s2;
	s6 =	simm.s32 $0x108;
	_ =	swait.ge @!p0 [sflag:s8], $0x0  }
0x24: {  	s3 =	sadd.s32 $0x88, s3;
	s6 =	simm.s32 @!p1 $0x1082;
	[sflag:s4] =	ssyncset.s32 $0xFFFFF086  }
0x25: {  	[simem:s6], [sflag:s4] =	dma.local [hbm:s3], $0xF7A  }
0x26: {  	[smem:$0x3F9B] =	sst s1;
	(tag) =	ssettag s2;
	_ =	strace s9  }
0x27: {  	s1 =	sld [smem:$0x3FAB]  }
0x28: {  	s2 =	sld [smem:$0x3FAC]  }
0x29: {  	s4 =	sld [smem:$0x3FAE]  }
0x2a: {  	p0 =	seq.s32 s5, $0x0;
	s5 =	sld [smem:$0x3FAF]  }
0x2b: {  	s6 =	sld [smem:$0x3FB0]  }
0x2c: {  	s7 =	sld [smem:$0x3FB1]  }
0x2d: {  	s3 =	simm.s32 $0x108;
	s8 =	sld [smem:$0x3FB2]  }
0x2e: {  	s3 =	simm.s32 @!p0 $0x1082;
	s9 =	sld [smem:$0x3FB3]  }
0x2f: {  	lr =	sadd.s32 s0, s3;
	s0 =	sld [smem:$0x3FAA]  }
0x30: {  	s3 =	sld [smem:$0x3FAD]  }
0x31: {  	[smem:$0x3FB6] =	sst s10  }
0x32: {  	s10 =	sld [smem:$0x3FB4];
	_ =	sdelay $0x3  }
0x33: {  	p0 =	seq.s32 s10, $0x1;
	s10 =	sld [smem:$0x3FB6];
	_ =	sdelay $0x3  }
0x34: {  	[smem:$0x3FB6] =	sst s10  }
0x35: {  	s10 =	sld [smem:$0x3FB5];
	_ =	sdelay $0x3  }
0x36: {  	p1 =	seq.s32 s10, $0x1;
	s10 =	sld [smem:$0x3FB6];
	_ =	sdelay $0x3  }
0x37: {  	[smem:$0x3FB6] =	sst s10  }
0x38: {  	s10 =	sld [smem:$0x3FB7]  }
0x39: {  	_ = 	snop;
	(pc) =	sbr.ind lr, $3  }
0x3a: {  	_ = 	snop  }
0x3b: {  	_ = 	snop  }
0x3c: {  	p2 =	seq.s32 s10, $0x1;
	s10 =	sld [smem:$0x3FB6]  }
0x3d: {  	_ =	shalt  }
0x3e: {  	_ =	shalt  }
0x3f: {  	_ =	shalt  }
0x40: {  	_ =	shalt  }
0x41: {  	_ =	shalt  }
0x42: {  	_ =	shalt  }
0x43: {  	_ =	shalt  }
0x44: {  	_ =	shalt  }
0x45: {  	_ =	shalt  }
0x46: {  	_ =	shalt  }
0x47: {  	_ =	shalt  }
0x48: {  	_ =	shalt  }
0x49: {  	_ =	shalt  }
0x4a: {  	_ =	shalt  }
0x4b: {  	_ =	shalt  }
0x4c: {  	_ =	shalt  }
0x4d: {  	_ =	shalt  }
0x4e: {  	_ =	shalt  }
0x4f: {  	_ =	shalt  }
0x50: {  	_ =	shalt  }
0x51: {  	_ =	shalt  }
0x52: {  	_ =	shalt  }
0x53: {  	_ =	shalt  }
0x54: {  	_ =	shalt  }
0x55: {  	_ =	shalt  }
0x56: {  	_ =	shalt  }
0x57: {  	_ =	shalt  }
0x58: {  	_ =	shalt  }
0x59: {  	_ =	shalt  }
0x5a: {  	_ =	shalt  }
0x5b: {  	_ =	shalt  }
0x5c: {  	_ =	shalt  }
0x5d: {  	_ =	shalt  }
0x5e: {  	_ =	shalt  }
0x5f: {  	_ =	shalt  }
0x60: {  	_ =	shalt  }
0x61: {  	_ =	shalt  }
0x62: {  	_ =	shalt  }
0x63: {  	_ =	shalt  }
0x64: {  	_ =	shalt  }
0x65: {  	_ =	shalt  }
0x66: {  	_ =	shalt  }
0x67: {  	_ =	shalt  }
0x68: {  	_ =	shalt  }
0x69: {  	_ =	shalt  }
0x6a: {  	_ =	shalt  }
0x6b: {  	_ =	shalt  }
0x6c: {  	_ =	shalt  }
0x6d: {  	_ =	shalt  }
0x6e: {  	_ =	shalt  }
0x6f: {  	_ =	shalt  }
0x70: {  	_ =	shalt  }
0x71: {  	_ =	shalt  }
0x72: {  	_ =	shalt  }
0x73: {  	_ =	shalt  }
0x74: {  	_ =	shalt  }
0x75: {  	_ =	shalt  }
0x76: {  	_ =	shalt  }
0x77: {  	_ =	shalt  }
0x78: {  	_ =	shalt  }
0x79: {  	_ =	shalt  }
0x7a: {  	_ =	shalt  }
0x7b: {  	_ =	shalt  }
0x7c: {  	_ =	shalt  }
0x7d: {  	_ =	shalt  }
0x7e: {  	_ =	shalt  }
0x7f: {  	_ =	shalt  }
0x80: {  	_ =	shalt  }
0x81: {  	_ =	shalt  }
0x82: {  	_ =	shalt  }
0x83: {  	_ =	shalt  }
0x84: {  	_ =	shalt  }
0x85: {  	_ =	shalt  }
0x86: {  	_ =	shalt  }
0x87: {  	_ =	shalt  }
.Lfunc_end0:
.L_simem_size_0:
called_computation.1_lowered:
.L_overlay_start_0:
0x88: {  	s2 =	sld [smem:$0x3FD9]  }
0x89: {  	s3 =	sld [smem:$0x3FFE];
	_ =	sdelay $0x1  }
0x8a: {  	s1 =	srdreg.scid  }
0x8b: {  	s0 =	sand.u32 $0x1, s1  }
0x8c: {  	s16 =	sshll.u32 s0, $0xA;
	s2 =	sadd.s32 s3, s2  }
0x8d: {  	s2 =	sadd.s32 s2, s16  }
0x8e: {  	[smem:$0x3FC2] =	sst s2  }
0x8f: {  	_ = 	snop  }
0x90: {  	(tm) =	ssettm $0x1  }
0x91: {  	s17 =	sld [smem:$0x3FFB];
	_ =	sdelay $0x3  }
0x92: {  	_ =	strace s17  }
0x93: {  	s2 =	sld [smem:$0x3FFC];
	_ =	sdelay $0x3  }
0x94: {  	_ =	strace s2  }
0x95: {  	s2 =	sld [smem:$0x3FFD];
	_ =	sdelay $0x3  }
0x96: {  	_ =	strace s2  }
0x97: {  	_ =	strace $0x8FFFFFFF  }
0x98: {  	s18 =	sld [smem:$0x3FDB];
	_ =	sdelay $0x1  }
0x99: {  	s19 =	simm.s32 $_scs_section_size  }
0x9a: {  	s4 =	simm.s32 $_size__tile_overlayer_lowered;
	s5 =	simm.s32 $_tile_overlayer_lowered  }
0x9b: {  	s22 =	simm.s32 $0x1BFF;
	s21 =	sshll.u32 s5, $0x1;
	s2 =	sadd.s32 s19, s18  }
0x9c: {  	s6 =	simm.s32 $0x0;
	s20 =	sshll.u32 s4, $0x1;
	s4 =	sadd.s32 s21, s2  }
0x9d: {  	[timem:s6], [sflag:s22] =	dma.local [hbm:s4], s20  }
0x9e: {  	_ =	swait.ge [sflag:s22], s20  }
0x9f: {  	s3 =	ssub.s32 $0x0, s20;
	[sflag:s22] =	ssyncset.done $0x0  }
0xa0: {  	[sflag:s22] =	ssyncadd.s32 s3;
	_ =	sdelay $0x1  }
0xa1: {  	s23 =	simm.s32 $0x1B8B  }
0xa2: {  	_ =	swait.ge [sflag:s23], $0x1  }
0xa3: {  	[sflag:s23] =	ssyncset.done $0x0  }
0xa4: {  	s25 =	simm.s32 $0x1B8E;
	s24 =	sld [smem:$0x3FFE];
	[sflag:s23] =	ssyncadd.s32 $0xFFFFFFFF  }
0xa5: {  	s26 =	simm.s32 $execute0_lowered;
	[smem:$0x3FD2] =	sst s25  }
0xa6: {  	s4 =	sshll.u32 s26, $0x1;
	_ =	strace $0x80000049;
	[dreg:$0x1] =	wrdreg $0xFFFFFFFF  }
0xa7: {  	s28 =	simm.s32 $_size_execute0_lowered;
	s2 =	sadd.s32 s2, s4;
	[dreg:$0x0] =	wrdreg $0x0  }
0xa8: {  	s4 =	sshll.u32 s28, $0x1;
	[dreg:$0x2] =	wrdreg s2  }
0xa9: {  	[dreg:$0x3] =	wrdreg s4  }
0xaa: {  	[dreg:$0x4] =	wrdreg $0xC0  }
0xab: {  	_ =	task [dreg:s6], $0x5FFFF  }
0xac: {  	[dreg:$0x1] =	wrdreg $0xFFFFFFFF  }
0xad: {  	[dreg:$0x0] =	wrdreg $0x60  }
0xae: {  	[dreg:$0x2] =	wrdreg s24  }
0xaf: {  	[dreg:$0x3] =	wrdreg $0x6F000  }
0xb0: {  	[dreg:$0x4] =	wrdreg $0x9  }
0xb1: {  	_ =	task.clear_ibuf [dreg:s6], $0x5FFFF;
	_ =	strace $0x90000049  }
0xb2: {  	s29 =	simm.s32 $0x9;
	_ =	strace $0x8000004B  }
0xb3: {  	_ =	swait.ge [sflag:s29], $0x1  }
0xb4: {  	[sflag:s29] =	ssyncadd.s32 $0xFFFFFFFF  }
0xb5: {  	_ =	strace $0x9000004B  }
0xb6: {  	_ =	sfence  }
0xb7: {  	s30 =	sld [smem:$0x0];
	_ =	sdelay $0x2  }
0xb8: {  	s31 =	sshll.u32 s1, $0xD;
	s1 =	sshrl.u32 s1, $0x2  }
0xb9: {  	s3 =	sand.u32 $0x4000, s31;
	s1 =	sadd.s32 s1, s30  }
0xba: {  	s0 =	sor.u32 s3, s0;
	s1 =	sshll.u32 s1, $0x11  }
0xbb: {  	s0 =	sor.u32 s1, s0  }
0xbc: {  	s0 =	sadd.s32 $0x8F2B, s0  }
0xbd: {  	[sflag:s0] =	ssyncadd.remote.s32 $0x1  }
0xbe: {  	_ =	sfence.sel $0xFFFF  }
0xbf: {  	[dreg:$0x0] =	wrdreg $0xFFFFFFFF;
	(pc) =	sbr.abs _section_cstart, $3  }
0xc0: {  	[dreg:$0x1] =	wrdreg $0xFFFFFFFF  }
0xc1: {  	_ =	task.clear_ibuf [dreg:s6], $0x2FFFF;
	_ =	strace $0x9FFFFFFF  }
0xc2: {  	(tm) =	ssettm $0x7FFFFFFF  }
0xc3: {  	_ =	shalt  }
tec
execute0_lowered:
.L_overlay_start_1:
0x0: {  	(tag) =	ssettag $0x1  }
0x1: {  	s1 =	srdreg.scid;
	s5 =	rddreg [dreg:$0x0]  }
0x2: {  	s0 =	stileid.u32;
	s2 =	rddreg [dreg:$0x1];
	s3 =	simm.s32 $0x0  }
0x3: {  	s28 =	simm.s32 $0x1;
	s6 =	sand.u32 $0x1, s1;
	s8 =	smul.u32 $0x28000, s0  }
0x4: {  	s19 =	sshll.u32 s0, $0x1;
	[smem:$0x7FF] =	sst s3;
	s16 =	smul.u32 $0x14000, s0  }
0x5: {  	s18 =	sadd.s32 $0x28C00, s5;
	s4 =	sor.u32 s6, s19;
	s17 =	smul.u32 $0x140000, s6  }
0x6: {  	_ =	strace $0x8000004A;
	s6 =	ssub.s32 $0x2, s6;
	s7 =	smul.u32 $0x4F0, s4  }
0x7: {  	s4 =	sadd.s32 $0x15200, s5;
	s20 =	sshrl.u32 s6, $0x1;
	s8 =	sshrl.u32 s8, $0x2  }
0x8: {  	s15 =	sadd.s32 $0x4000, s16;
	s14 =	sshrl.u32 s16, $0x1;
	s23 =	sadd.s32 $0x8000, s16  }
0x9: {  	s25 =	sadd.s32 $0xC000, s16;
	s29 =	sadd.s32 $0x10000, s16;
	s9 =	ssub.s32 s6, s20  }
0xa: {  	s21 =	sadd.s32 s17, s16;
	s19 =	sadd.s32 s17, s15;
	s15 =	sshrl.u32 s15, $0x1  }
0xb: {  	s20 =	sadd.s32 s17, s23;
	s30 =	sshrl.u32 s25, $0x1;
	s31 =	sshrl.u32 s29, $0x1  }
0xc: {  	s7 =	sadd.s32 s7, s5;
	s5 =	sadd.s32 s8, s2;
	s8 =	sshrl.u32 s21, $0x4  }
0xd: {  	s9 =	smax.u32 s9, $0x1;
	s21 =	sadd.s32 s14, s2;
	s22 =	sshrl.u32 s19, $0x4  }
0xe: {  	s24 =	sshrl.u32 s20, $0x4;
	s19 =	sshrl.u32 s23, $0x1;
	s23 =	sadd.s32 s17, s25  }
0xf: {  	s17 =	sadd.s32 s17, s29;
	s25 =	sadd.s32 s30, s2;
	s20 =	simm.s32 $0x2780  }
0x10: {  	s6 =	sadd.s32 $0xB400, s7;
	s7 =	sadd.s32 $0x1600, s7;
	s8 =	sadd.s32 s18, s8  }
0x11: {  	s10 =	sadd.s32 $0x2000, s5;
	s11 =	sadd.s32 $0x4000, s5;
	s12 =	sadd.s32 $0x6000, s5  }
0x12: {  	s13 =	sadd.s32 $0x8000, s5;
	s14 =	sadd.s32 s18, s22;
	s22 =	sadd.s32 s15, s2  }
0x13: {  	s15 =	sadd.s32 s18, s24;
	s24 =	sadd.s32 s19, s2;
	s26 =	sshrl.u32 s23, $0x4  }
0x14: {  	s17 =	sshrl.u32 s17, $0x4;
	s19 =	simm.s32 $0x2;
	s21 =	sshrl.u32 s21, $0x3  }
0x15: {  	s16 =	sadd.s32 s18, s26;
	s17 =	sadd.s32 s18, s17;
	s26 =	sadd.s32 s31, s2  }
0x16: {  	s18 =	simm.s32 $0x4F00;
	s22 =	sshrl.u32 s22, $0x3;
	s23 =	sshrl.u32 s24, $0x3  }
0x17: {  	v0 =	vimm.bf16 $0.0e+00;
	s24 =	sshrl.u32 s25, $0x3;
	s25 =	sshrl.u32 s26, $0x3;
	s26 =	simm.s32 $0x80  }
.LBB2_1:
0x18: {  	s30 =	simm.s32 $0x100;
	s29 =	simm.s32 $0x0  }
.LBB2_2:
0x19: {  	p0 =	sne.s32 s30, $0x7F00;
	[tilespmem:s29+$0x4F30] =	vst v0;
	s31 =	smov.u32 s30;
	s30 =	sadd.s32 $0x100, s30  }
.Ltmp0:
0x1a: {  	[tilespmem:s29+$0x4F20] =	vst v0;
	(pc) =	sbr.rel @p0 .LBB2_2-.Ltmp0, $3  }
0x1b: {  	[tilespmem:s29+$0x4F00] =	vst v0  }
0x1c: {  	[tilespmem:s29+$0x4F10] =	vst v0;
	_ =	sdelay $0x1  }
0x1d: {  	s29 =	sshra.s32 s31, $0x2  }
0x1e: {  	[tilespmem:s29+$0x4F30] =	vst v0  }
0x1f: {  	[tilespmem:s29+$0x4F20] =	vst v0  }
0x20: {  	[tilespmem:s29+$0x4F00] =	vst v0  }
0x21: {  	[tilespmem:s29+$0x4F10] =	vst v0  }
0x22: {  	[spmem:s5] =	stream.linear.scatter [tilespmem:s18], [sflag:$0x2], $0x2000, $0x38;
	[tilespmem:$0x10F00] =	vst v63  }
0x23: {  	_ =	swait.ge [sflag:s19], $0x2000  }
0x24: {  	[sflag:s19] =	ssyncset.done $0x0  }
0x25: {  	[sflag:s19] =	ssyncadd.s32 $0xFFFFE000  }
0x26: {  	[spmem:s10] =	stream.linear.scatter [tilespmem:s18], [sflag:$0x2], $0x2000, $0x38;
	[tilespmem:$0x10F00] =	vst v63  }
0x27: {  	_ =	swait.ge [sflag:s19], $0x2000  }
0x28: {  	[sflag:s19] =	ssyncset.done $0x0  }
0x29: {  	[sflag:s19] =	ssyncadd.s32 $0xFFFFE000  }
0x2a: {  	[spmem:s11] =	stream.linear.scatter [tilespmem:s18], [sflag:$0x2], $0x2000, $0x38;
	[tilespmem:$0x10F00] =	vst v63  }
0x2b: {  	_ =	swait.ge [sflag:s19], $0x2000  }
0x2c: {  	[sflag:s19] =	ssyncset.done $0x0  }
0x2d: {  	[sflag:s19] =	ssyncadd.s32 $0xFFFFE000  }
0x2e: {  	[spmem:s12] =	stream.linear.scatter [tilespmem:s18], [sflag:$0x2], $0x2000, $0x38;
	[tilespmem:$0x10F00] =	vst v63  }
0x2f: {  	_ =	swait.ge [sflag:s19], $0x2000  }
0x30: {  	[sflag:s19] =	ssyncset.done $0x0  }
0x31: {  	[sflag:s19] =	ssyncadd.s32 $0xFFFFE000  }
0x32: {  	[spmem:s13] =	stream.linear.scatter [tilespmem:s18], [sflag:$0x2], $0x2000, $0x38;
	[tilespmem:$0x10F00] =	vst v63  }
0x33: {  	_ =	swait.ge [sflag:s19], $0x2000  }
0x34: {  	[sflag:s19] =	ssyncset.done $0x0  }
0x35: {  	s29 =	simm.s32 $0x0;
	[sflag:s19] =	ssyncadd.s32 $0xFFFFE000  }
0x36: {  	[tilespmem:s29], [sflag:$0x2] =	stream.linear.gather [hbm4b:s6+s29], $0x2780, $0x38;
	[tilespmem:$0x10F00] =	vst v63  }
0x37: {  	_ =	swait.ge [sflag:s19], $0x2780  }
0x38: {  	[sflag:s19] =	ssyncset.done $0x0  }
0x39: {  	[sflag:s19] =	ssyncadd.s32 $0xFFFFD880  }
0x3a: {  	[tilespmem:s20], [sflag:$0x2] =	stream.linear.gather [hbm4b:s7+s29], $0x2780, $0x38;
	[tilespmem:$0x10F00] =	vst v63  }
0x3b: {  	_ =	swait.ge [sflag:s19], $0x2780  }
0x3c: {  	[sflag:s19] =	ssyncset.done $0x0  }
0x3d: {  	[sflag:s19] =	ssyncadd.s32 $0xFFFFD880  }
0x3e: {  	s29 =	simm.s32 $0x0;
	[bflag:$0x0] =	sbarrier.arrive $0xFFFF  }
0x3f: {  	[tilespmem:s18], [sflag:$0x1] =	stream.indirect.gather [hbm4b:s4+s26], $0x40, s29, s26, $0xb8;
	[tilespmem:$0x10F00] =	vst v63  }
0x40: {  	_ =	swait.ge [sflag:s28], $0x2000  }
0x41: {  	[sflag:s28] =	ssyncset.done $0x0  }
0x42: {  	s29 =	simm.s32 $0x2780;
	[sflag:s28] =	ssyncadd.s32 $0xFFFFE000  }
0x43: {  	[spmem:s2] =	stream.indirect.scatter.add.bf16 [tilespmem:s18], [sflag:$0x2], $0x40, s29, s26, $0xb8;
	[tilespmem:$0x10F00] =	vst v63  }
0x44: {  	_ =	swait.ge [sflag:s19], $0x2000  }
0x45: {  	s30 =	simm.s32 $0x400;
	s29 =	simm.s32 $0x200;
	[sflag:s19] =	ssyncset.done $0x0  }
.LBB2_4:
0x46: {  	s31 =	sshra.s32 s29, $0x2  }
0x47: {  	[sflag:s19] =	ssyncadd.s32 $0xFFFFE000;
	s29 =	smov.u32 s30;
	s1 =	sadd.s32 $0x200, s30  }
0x48: {  	[tilespmem:s18], [sflag:$0x1] =	stream.indirect.gather [hbm4b:s4+s26], $0x40, s31, s26, $0xb8;
	[tilespmem:$0x10F00] =	vst v63  }
0x49: {  	p0 =	sne.s32 s30, $0x9C00;
	_ =	swait.ge [sflag:s28], $0x2000  }
.Ltmp1:
0x4a: {  	[sflag:s28] =	ssyncset.done $0x0;
	(pc) =	sbr.rel @p0 .LBB2_4-.Ltmp1, $4  }
0x4b: {  	s30 =	sadd.s32 $0x2780, s31;
	[sflag:s28] =	ssyncadd.s32 $0xFFFFE000  }
0x4c: {  	[spmem:s2] =	stream.indirect.scatter.add.bf16 [tilespmem:s18], [sflag:$0x2], $0x40, s30, s26, $0xb8;
	[tilespmem:$0x10F00] =	vst v63  }
0x4d: {  	_ =	swait.ge [sflag:s19], $0x2000  }
0x4e: {  	s30 =	smov.u32 s1;
	[sflag:s19] =	ssyncset.done $0x0  }
0x4f: {  	s1 =	sshra.s32 s29, $0x2;
	[sflag:s19] =	ssyncadd.s32 $0xFFFFE000  }
0x50: {  	[tilespmem:s18], [sflag:$0x1] =	stream.indirect.gather [hbm4b:s4+s26], $0x40, s1, s26, $0xb8;
	[tilespmem:$0x10F00] =	vst v63  }
0x51: {  	_ =	swait.ge [sflag:s28], $0x2000  }
0x52: {  	[sflag:s28] =	ssyncset.done $0x0  }
0x53: {  	s1 =	sadd.s32 $0x2780, s1;
	[sflag:s28] =	ssyncadd.s32 $0xFFFFE000  }
0x54: {  	[spmem:s2] =	stream.indirect.scatter.add.bf16 [tilespmem:s18], [sflag:$0x2], $0x40, s1, s26, $0xb8;
	[tilespmem:$0x10F00] =	vst v63  }
0x55: {  	_ =	swait.ge [sflag:s19], $0x2000  }
0x56: {  	[sflag:s19] =	ssyncset.done $0x0  }
0x57: {  	s31 =	sshll.u32 s0, $0x6;
	[sflag:s19] =	ssyncadd.s32 $0xFFFFE000  }
0x58: {  	s1 =	sor.u32 $0x1C02, s31;
	[bflag:$0x0] =	sbarrier.arrive $0xFFFF  }
0x59: {  	[hbm:s8], [sflag:s1] =	dma.local [spmem:s21], $0x400  }
0x5a: {  	_ =	swait.ge [sflag:s19], $0x400  }
0x5b: {  	[sflag:s19] =	ssyncset.done $0x0  }
0x5c: {  	[sflag:s19] =	ssyncadd.s32 $0xFFFFFC00  }
0x5d: {  	[hbm:s14], [sflag:s1] =	dma.local [spmem:s22], $0x400  }
0x5e: {  	_ =	swait.ge [sflag:s19], $0x400  }
0x5f: {  	[sflag:s19] =	ssyncset.done $0x0  }
0x60: {  	[sflag:s19] =	ssyncadd.s32 $0xFFFFFC00  }
0x61: {  	[hbm:s15], [sflag:s1] =	dma.local [spmem:s23], $0x400  }
0x62: {  	_ =	swait.ge [sflag:s19], $0x400  }
0x63: {  	[sflag:s19] =	ssyncset.done $0x0  }
0x64: {  	[sflag:s19] =	ssyncadd.s32 $0xFFFFFC00  }
0x65: {  	[hbm:s16], [sflag:s1] =	dma.local [spmem:s24], $0x400  }
0x66: {  	s3 =	sadd.s32 $0x1, s3;
	_ =	swait.ge [sflag:s19], $0x400  }
0x67: {  	p0 =	sne.s32 s3, s9;
	[sflag:s19] =	ssyncset.done $0x0  }
.Ltmp2:
0x68: {  	[sflag:s19] =	ssyncadd.s32 $0xFFFFFC00;
	(pc) =	sbr.rel @p0 .LBB2_1-.Ltmp2, $4  }
0x69: {  	[hbm:s17], [sflag:s1] =	dma.local [spmem:s25], $0x400  }
0x6a: {  	_ =	swait.ge [sflag:s19], $0x400  }
0x6b: {  	[sflag:s19] =	ssyncset.done $0x0  }
0x6c: {  	[sflag:s19] =	ssyncadd.s32 $0xFFFFFC00  }
0x6d: {  	_ =	sfence.sel $0x180000  }
0x6e: {  	[bflag:$0x0] =	sbarrier.arrive $0xFFFF  }
0x6f: {  	_ =	strace $0x9000004A  }
0x70: {  	[bflag:$0x2] =	sbarrier.arrive $0xFFFF  }
0x71: {  	p0 =	sne.s32 s0, $0x0;
	s0 =	rddreg [dreg:$0x2]  }
0x72: {  	s0 =	sadd.s32 @!p0 $0x100000, s0  }
0x73: {  	[sflag:s0] =	ssyncadd.tile.s32 @!p0 $0x1;
	_ =	shalt  }
.Lfunc_end2:
_tile_overlayer_lowered:
.L_overlay_start_2:
0x74: {  	(tag) =	ssettag $0x2  }
0x75: {  	s0 =	rddreg [dreg:$0x0];
	s2 =	stileid.u32  }
0x76: {  	s1 =	rddreg [dreg:$0x1];
	p0 =	sne.s32 s2, $0x0  }
0x77: {  	s3 =	rddreg [dreg:$0x2];
	[bflag:$0x3] =	sbarrier.arrive $0xFFFF;
	s2 =	simm.s32 @!p0 $0x1C02  }
0x78: {  	[timem:s3], [sflag:s2] =	dma.local @!p0 [hbm:s0], s1  }
0x79: {  	s0 =	simm.s32 @!p0 $0x2  }
0x7a: {  	_ =	swait.ge @!p0 [sflag:s0], s1  }
0x7b: {  	s1 =	ssub.s32 @!p0 $0x0, s1;
	[sflag:s0] =	ssyncset.done @!p0 $0x0  }
0x7c: {  	[sflag:s0] =	ssyncadd.s32 @!p0 s1  }
0x7d: {  	[bflag:$0x3] =	sbarrier.arrive $0xFFFF  }
0x7e: {  	_ =	shalt  }

// kernel: kernel.15.cloned.1.call-start
scs
__scs_entry_jumppad:
0x0: {  	(pc) =	sbr.rel $0x88, $3  }
0x1: {  	(tag) =	ssettag $0x0;
	lr =	simm.s32 $0x1  }
0x2: {  	[smem:$0x3F9B] =	sst lr;
	_ =	strace $0xD0000000  }
0x3: {  	_ = 	snop  }
0x4: {  	_ = 	snop  }
0x5: {  	_ = 	snop  }
0x6: {  	_ = 	snop  }
0x7: {  	_ = 	snop  }
__scs_overlays_trampoline_lowered:
0x8: {  	[smem:$0x3FAA] =	sst s0  }
0x9: {  	[smem:$0x3FAB] =	sst s1  }
0xa: {  	[smem:$0x3FAC] =	sst s2  }
0xb: {  	[smem:$0x3FAD] =	sst s3  }
0xc: {  	[smem:$0x3FAE] =	sst s4  }
0xd: {  	[smem:$0x3FAF] =	sst s5  }
0xe: {  	[smem:$0x3FB0] =	sst s6  }
0xf: {  	[smem:$0x3FB1] =	sst s7  }
0x10: {  	[smem:$0x3FB2] =	sst s8  }
0x11: {  	[smem:$0x3FB3] =	sst s9;
	s0 =	simm.s32 @!p0 $0x0  }
0x12: {  	s1 =	sld [smem:$0x3F99];
	s0 =	simm.s32 @p0 $0x1  }
0x13: {  	[smem:$0x3FB4] =	sst s0;
	s0 =	simm.s32 @!p1 $0x0  }
0x14: {  	s2 =	sld [smem:$0x3F98];
	s0 =	simm.s32 @p1 $0x1  }
0x15: {  	[smem:$0x3FB5] =	sst s0;
	s0 =	simm.s32 @!p2 $0x0  }
0x16: {  	s3 =	sld [smem:$0x3FDB];
	s0 =	simm.s32 @p2 $0x1  }
0x17: {  	s4 =	simm.s32 $0x1BF5;
	[smem:$0x3FB7] =	sst s0  }
0x18: {  	s0 =	sld [smem:$0x3F9A];
	_ =	swait.ge [sflag:s4], $0x0  }
0x19: {  	s7 =	sld [smem:$0x3F9B]  }
0x1a: {  	s8 =	sadd.s32 $0xFFFFE003, lr  }
0x1b: {  	s9 =	sadd.s32 $0xFFFFFEF7, lr;
	s5 =	simm.s32 $0xFFFFFFFF;
	p2 =	slt.u32 s8, $0xFFFFF086  }
0x1c: {  	p1 =	slt.u32 s9, $0xF7A;
	s5 =	simm.s32 @!p2 $0x0  }
0x1d: {  	s5 =	simm.s32 @p1 $0x1;
	p0 =	seq.s32 s7, s2  }
0x1e: {  	s7 =	smul.u32 @!p0 $0xF7A, s2;
	p2 =	seq.s32 @!p0 s5, $0x0  }
0x1f: {  	s9 =	smul.u32 $0xF7A, s1;
	s8 =	simm.s32 @!p0 $0x1BF5;
	p2 =	por !p2, p0  }
0x20: {  	[sflag:s8] =	ssyncset.s32 @!p0 $0xFFFFF086;
	s6 =	sadd.s32 @!p0 s3, s7;
	s7 =	simm.s32 @!p0 $0x108  }
0x21: {  	s3 =	sadd.s32 s3, s9;
	s6 =	sadd.s32 @!p0 $0x88, s6;
	s7 =	simm.s32 @p2 $0x1082  }
0x22: {  	[simem:s7], [sflag:s8] =	dma.local @!p0 [hbm:s6], $0xF7A  }
0x23: {  	s9 =	sor.u32 $0xD0000000, s2;
	s6 =	simm.s32 $0x108;
	_ =	swait.ge @!p0 [sflag:s8], $0x0  }
0x24: {  	s3 =	sadd.s32 $0x88, s3;
	s6 =	simm.s32 @!p1 $0x1082;
	[sflag:s4] =	ssyncset.s32 $0xFFFFF086  }
0x25: {  	[simem:s6], [sflag:s4] =	dma.local [hbm:s3], $0xF7A  }
0x26: {  	[smem:$0x3F9B] =	sst s1;
	(tag) =	ssettag s2;
	_ =	strace s9  }
0x27: {  	s1 =	sld [smem:$0x3FAB]  }
0x28: {  	s2 =	sld [smem:$0x3FAC]  }
0x29: {  	s4 =	sld [smem:$0x3FAE]  }
0x2a: {  	p0 =	seq.s32 s5, $0x0;
	s5 =	sld [smem:$0x3FAF]  }
0x2b: {  	s6 =	sld [smem:$0x3FB0]  }
0x2c: {  	s7 =	sld [smem:$0x3FB1]  }
0x2d: {  	s3 =	simm.s32 $0x108;
	s8 =	sld [smem:$0x3FB2]  }
0x2e: {  	s3 =	simm.s32 @!p0 $0x1082;
	s9 =	sld [smem:$0x3FB3]  }
0x2f: {  	lr =	sadd.s32 s0, s3;
	s0 =	sld [smem:$0x3FAA]  }
0x30: {  	s3 =	sld [smem:$0x3FAD]  }
0x31: {  	[smem:$0x3FB6] =	sst s10  }
0x32: {  	s10 =	sld [smem:$0x3FB4];
	_ =	sdelay $0x3  }
0x33: {  	p0 =	seq.s32 s10, $0x1;
	s10 =	sld [smem:$0x3FB6];
	_ =	sdelay $0x3  }
0x34: {  	[smem:$0x3FB6] =	sst s10  }
0x35: {  	s10 =	sld [smem:$0x3FB5];
	_ =	sdelay $0x3  }
0x36: {  	p1 =	seq.s32 s10, $0x1;
	s10 =	sld [smem:$0x3FB6];
	_ =	sdelay $0x3  }
0x37: {  	[smem:$0x3FB6] =	sst s10  }
0x38: {  	s10 =	sld [smem:$0x3FB7]  }
0x39: {  	_ = 	snop;
	(pc) =	sbr.ind lr, $3  }
0x3a: {  	_ = 	snop  }
0x3b: {  	_ = 	snop  }
0x3c: {  	p2 =	seq.s32 s10, $0x1;
	s10 =	sld [smem:$0x3FB6]  }
0x3d: {  	_ =	shalt  }
0x3e: {  	_ =	shalt  }
0x3f: {  	_ =	shalt  }
0x40: {  	_ =	shalt  }
0x41: {  	_ =	shalt  }
0x42: {  	_ =	shalt  }
0x43: {  	_ =	shalt  }
0x44: {  	_ =	shalt  }
0x45: {  	_ =	shalt  }
0x46: {  	_ =	shalt  }
0x47: {  	_ =	shalt  }
0x48: {  	_ =	shalt  }
0x49: {  	_ =	shalt  }
0x4a: {  	_ =	shalt  }
0x4b: {  	_ =	shalt  }
0x4c: {  	_ =	shalt  }
0x4d: {  	_ =	shalt  }
0x4e: {  	_ =	shalt  }
0x4f: {  	_ =	shalt  }
0x50: {  	_ =	shalt  }
0x51: {  	_ =	shalt  }
0x52: {  	_ =	shalt  }
0x53: {  	_ =	shalt  }
0x54: {  	_ =	shalt  }
0x55: {  	_ =	shalt  }
0x56: {  	_ =	shalt  }
0x57: {  	_ =	shalt  }
0x58: {  	_ =	shalt  }
0x59: {  	_ =	shalt  }
0x5a: {  	_ =	shalt  }
0x5b: {  	_ =	shalt  }
0x5c: {  	_ =	shalt  }
0x5d: {  	_ =	shalt  }
0x5e: {  	_ =	shalt  }
0x5f: {  	_ =	shalt  }
0x60: {  	_ =	shalt  }
0x61: {  	_ =	shalt  }
0x62: {  	_ =	shalt  }
0x63: {  	_ =	shalt  }
0x64: {  	_ =	shalt  }
0x65: {  	_ =	shalt  }
0x66: {  	_ =	shalt  }
0x67: {  	_ =	shalt  }
0x68: {  	_ =	shalt  }
0x69: {  	_ =	shalt  }
0x6a: {  	_ =	shalt  }
0x6b: {  	_ =	shalt  }
0x6c: {  	_ =	shalt  }
0x6d: {  	_ =	shalt  }
0x6e: {  	_ =	shalt  }
0x6f: {  	_ =	shalt  }
0x70: {  	_ =	shalt  }
0x71: {  	_ =	shalt  }
0x72: {  	_ =	shalt  }
0x73: {  	_ =	shalt  }
0x74: {  	_ =	shalt  }
0x75: {  	_ =	shalt  }
0x76: {  	_ =	shalt  }
0x77: {  	_ =	shalt  }
0x78: {  	_ =	shalt  }
0x79: {  	_ =	shalt  }
0x7a: {  	_ =	shalt  }
0x7b: {  	_ =	shalt  }
0x7c: {  	_ =	shalt  }
0x7d: {  	_ =	shalt  }
0x7e: {  	_ =	shalt  }
0x7f: {  	_ =	shalt  }
0x80: {  	_ =	shalt  }
0x81: {  	_ =	shalt  }
0x82: {  	_ =	shalt  }
0x83: {  	_ =	shalt  }
0x84: {  	_ =	shalt  }
0x85: {  	_ =	shalt  }
0x86: {  	_ =	shalt  }
0x87: {  	_ =	shalt  }
.Lfunc_end0:
.L_simem_size_0:
called_computation.2_lowered:
.L_overlay_start_0:
0x88: {  	s2 =	sld [smem:$0x3FD9]  }
0x89: {  	s3 =	sld [smem:$0x3FFE];
	_ =	sdelay $0x1  }
0x8a: {  	s1 =	srdreg.scid  }
0x8b: {  	s0 =	sand.u32 $0x1, s1  }
0x8c: {  	s17 =	sshll.u32 s0, $0xA;
	s2 =	sadd.s32 s3, s2  }
0x8d: {  	s2 =	sadd.s32 s2, s17  }
0x8e: {  	[smem:$0x3FC2] =	sst s2  }
0x8f: {  	_ = 	snop  }
0x90: {  	s2 =	sld [smem:$0x3FD0];
	(tm) =	ssettm $0x1  }
0x91: {  	s18 =	sld [smem:$0x3FFB];
	_ =	sdelay $0x3  }
0x92: {  	_ =	strace s18  }
0x93: {  	s3 =	sld [smem:$0x3FFC];
	_ =	sdelay $0x3  }
0x94: {  	_ =	strace s3  }
0x95: {  	s3 =	sld [smem:$0x3FFD];
	_ =	sdelay $0x3  }
0x96: {  	_ =	strace s3  }
0x97: {  	_ =	strace $0x8FFFFFFF  }
0x98: {  	s19 =	sld [smem:$0x3FDB];
	_ =	sdelay $0x1  }
0x99: {  	s4 =	simm.s32 $_scs_section_size  }
0x9a: {  	s5 =	simm.s32 $_size__tile_overlayer_lowered;
	s6 =	simm.s32 $_tile_overlayer_lowered  }
0x9b: {  	s22 =	simm.s32 $0x1BFF;
	s21 =	sshll.u32 s6, $0x1;
	s3 =	sadd.s32 s4, s19  }
0x9c: {  	s7 =	simm.s32 $0x0;
	s20 =	sshll.u32 s5, $0x1;
	s5 =	sadd.s32 s21, s3  }
0x9d: {  	[timem:s7], [sflag:s22] =	dma.local [hbm:s5], s20  }
0x9e: {  	_ =	swait.ge [sflag:s22], s20  }
0x9f: {  	s4 =	ssub.s32 $0x0, s20;
	[sflag:s22] =	ssyncset.done $0x0  }
0xa0: {  	[sflag:s22] =	ssyncadd.s32 s4;
	_ =	sdelay $0x1  }
0xa1: {  	s23 =	simm.s32 $0x1B8B  }
0xa2: {  	_ =	swait.ge [sflag:s23], $0x1  }
0xa3: {  	[sflag:s23] =	ssyncset.done $0x0  }
0xa4: {  	s25 =	simm.s32 $0x1B8E;
	s24 =	sld [smem:$0x3FFE];
	[sflag:s23] =	ssyncadd.s32 $0xFFFFFFFF  }
0xa5: {  	s26 =	simm.s32 $execute0_lowered;
	[smem:$0x3FD2] =	sst s25  }
0xa6: {  	s5 =	sshll.u32 s26, $0x1;
	_ =	strace $0x8000004C;
	[dreg:$0x1] =	wrdreg $0xFFFFFFFF  }
0xa7: {  	s28 =	simm.s32 $_size_execute0_lowered;
	s3 =	sadd.s32 s3, s5;
	[dreg:$0x0] =	wrdreg $0x0  }
0xa8: {  	s5 =	sshll.u32 s28, $0x1;
	[dreg:$0x2] =	wrdreg s3  }
0xa9: {  	[dreg:$0x3] =	wrdreg s5  }
0xaa: {  	[dreg:$0x4] =	wrdreg $0xC0  }
0xab: {  	_ =	task [dreg:s7], $0x5FFFF  }
0xac: {  	[dreg:$0x1] =	wrdreg $0xFFFFFFFF  }
0xad: {  	[dreg:$0x0] =	wrdreg $0x60  }
0xae: {  	[dreg:$0x2] =	wrdreg s2  }
0xaf: {  	[dreg:$0x3] =	wrdreg s24  }
0xb0: {  	[dreg:$0x4] =	wrdreg $0x57000  }
0xb1: {  	[dreg:$0x5] =	wrdreg $0x9  }
0xb2: {  	_ =	task.clear_ibuf [dreg:s7], $0x6FFFF;
	_ =	strace $0x9000004C  }
0xb3: {  	s29 =	simm.s32 $0x9;
	_ =	strace $0x8000004E  }
0xb4: {  	_ =	swait.ge [sflag:s29], $0x1  }
0xb5: {  	[sflag:s29] =	ssyncadd.s32 $0xFFFFFFFF  }
0xb6: {  	_ =	strace $0x9000004E  }
0xb7: {  	_ =	sfence  }
0xb8: {  	s30 =	sld [smem:$0x0];
	_ =	sdelay $0x2  }
0xb9: {  	s31 =	sshll.u32 s1, $0xD;
	s1 =	sshrl.u32 s1, $0x2  }
0xba: {  	s3 =	sand.u32 $0x4000, s31;
	s1 =	sadd.s32 s1, s30  }
0xbb: {  	s0 =	sor.u32 s3, s0;
	s1 =	sshll.u32 s1, $0x11  }
0xbc: {  	s0 =	sor.u32 s1, s0  }
0xbd: {  	s0 =	sadd.s32 $0x8F2B, s0  }
0xbe: {  	[sflag:s0] =	ssyncadd.remote.s32 $0x1  }
0xbf: {  	_ =	sfence.sel $0xFFFF  }
0xc0: {  	[dreg:$0x0] =	wrdreg $0xFFFFFFFF;
	(pc) =	sbr.abs _section_cstart, $3  }
0xc1: {  	[dreg:$0x1] =	wrdreg $0xFFFFFFFF  }
0xc2: {  	_ =	task.clear_ibuf [dreg:s7], $0x2FFFF;
	_ =	strace $0x9FFFFFFF  }
0xc3: {  	(tm) =	ssettm $0x7FFFFFFF  }
tec
execute0_lowered:
.L_overlay_start_1:
0x0: {  	(tag) =	ssettag $0x1  }
0x1: {  	s1 =	rddreg [dreg:$0x0]  }
0x2: {  	s2 =	srdreg.scid;
	s6 =	rddreg [dreg:$0x1]  }
0x3: {  	s0 =	stileid.u32;
	s3 =	rddreg [dreg:$0x2];
	s4 =	simm.s32 $0x0  }
0x4: {  	s5 =	sand.u32 $0x1, s2;
	s22 =	sshll.u32 s0, $0x1;
	s8 =	smul.u32 $0xA000, s0  }
0x5: {  	[smem:$0x7FF] =	sst s4;
	s17 =	smul.u32 $0x2800, s0;
	s18 =	sadd.s32 $0x15200, s6  }
0x6: {  	s2 =	sor.u32 s5, s22;
	s16 =	smul.u32 $0x28000, s5;
	s5 =	ssub.s32 $0x2, s5  }
0x7: {  	_ =	strace $0x8000004D;
	s7 =	smul.u32 $0x4F0, s2;
	s23 =	sshrl.u32 s5, $0x1  }
0x8: {  	s8 =	sshrl.u32 s8, $0x2;
	s15 =	sadd.s32 $0x800, s17;
	s19 =	sadd.s32 $0x1000, s17  }
0x9: {  	s21 =	sadd.s32 s17, s3;
	s26 =	sadd.s32 $0x1800, s17;
	s9 =	sadd.s32 s16, s17  }
0xa: {  	s10 =	ssub.s32 s5, s23;
	s5 =	sadd.s32 s8, s3;
	s14 =	sadd.s32 s16, s15  }
0xb: {  	s20 =	sadd.s32 s16, s19;
	s22 =	sadd.s32 s15, s3;
	s23 =	sadd.s32 s16, s26  }
0xc: {  	s26 =	sadd.s32 s26, s3;
	s21 =	sshrl.u32 s21, $0x3;
	s7 =	sadd.s32 s7, s6  }
0xd: {  	s24 =	sshrl.u32 s9, $0x3;
	s9 =	smax.u32 s10, $0x1;
	s10 =	sadd.s32 $0x800, s5  }
0xe: {  	s11 =	sadd.s32 $0x1000, s5;
	s12 =	sadd.s32 $0x1800, s5;
	s13 =	sadd.s32 $0x2000, s5  }
0xf: {  	s14 =	sshrl.u32 s14, $0x3;
	s25 =	sshrl.u32 s20, $0x3;
	s29 =	sshrl.u32 s23, $0x3  }
0x10: {  	s20 =	simm.s32 $0x2780;
	s22 =	sshrl.u32 s22, $0x3;
	s6 =	sadd.s32 $0xB400, s7  }
0x11: {  	s7 =	sadd.s32 $0x1600, s7;
	s8 =	sadd.s32 s18, s24;
	s14 =	sadd.s32 s18, s14  }
0x12: {  	s15 =	sadd.s32 s18, s25;
	s24 =	sadd.s32 $0x2000, s17;
	s25 =	sadd.s32 s19, s3  }
0x13: {  	s19 =	simm.s32 $0x2;
	s30 =	sadd.s32 s16, s24;
	s16 =	sadd.s32 s18, s29  }
0x14: {  	s28 =	sadd.s32 s24, s3;
	s23 =	sshrl.u32 s25, $0x3;
	s24 =	sshrl.u32 s26, $0x3  }
0x15: {  	s26 =	simm.s32 $0x80;
	s31 =	sshrl.u32 s30, $0x3;
	s25 =	sshrl.u32 s28, $0x3  }
0x16: {  	v0 =	vimm.f32 $0.0e+00;
	s28 =	simm.s32 $0x1;
	s17 =	sadd.s32 s18, s31;
	s18 =	simm.s32 $0x4F00  }
.LBB2_1:
0x17: {  	s29 =	simm.s32 $0x40;
	s30 =	simm.s32 $0x0  }
.LBB2_2:
0x18: {  	p0 =	sne.s32 s29, $0x1FC0;
	[tilespmem:s30+$0x4F00] =	vst v0;
	s30 =	smov.u32 s29;
	s29 =	sadd.s32 $0x40, s29  }
.Ltmp0:
0x19: {  	(pc) =	sbr.rel @p0 .LBB2_2-.Ltmp0, $2  }
0x1a: {  	_ =	sdelay $0x2  }
0x1b: {  	s30 =	sshra.s32 s30, $0x2  }
0x1c: {  	[tilespmem:s30+$0x4F00] =	vst v0  }
0x1d: {  	[spmem:s5] =	stream.linear.scatter [tilespmem:s18], [sflag:$0x2], $0x800, $0x38;
	[tilespmem:$0x7F00] =	vst v63  }
0x1e: {  	_ =	swait.ge [sflag:s19], $0x800  }
0x1f: {  	[sflag:s19] =	ssyncset.done $0x0  }
0x20: {  	[sflag:s19] =	ssyncadd.s32 $0xFFFFF800  }
0x21: {  	[spmem:s10] =	stream.linear.scatter [tilespmem:s18], [sflag:$0x2], $0x800, $0x38;
	[tilespmem:$0x7F00] =	vst v63  }
0x22: {  	_ =	swait.ge [sflag:s19], $0x800  }
0x23: {  	[sflag:s19] =	ssyncset.done $0x0  }
0x24: {  	[sflag:s19] =	ssyncadd.s32 $0xFFFFF800  }
0x25: {  	[spmem:s11] =	stream.linear.scatter [tilespmem:s18], [sflag:$0x2], $0x800, $0x38;
	[tilespmem:$0x7F00] =	vst v63  }
0x26: {  	_ =	swait.ge [sflag:s19], $0x800  }
0x27: {  	[sflag:s19] =	ssyncset.done $0x0  }
0x28: {  	[sflag:s19] =	ssyncadd.s32 $0xFFFFF800  }
0x29: {  	[spmem:s12] =	stream.linear.scatter [tilespmem:s18], [sflag:$0x2], $0x800, $0x38;
	[tilespmem:$0x7F00] =	vst v63  }
0x2a: {  	_ =	swait.ge [sflag:s19], $0x800  }
0x2b: {  	[sflag:s19] =	ssyncset.done $0x0  }
0x2c: {  	[sflag:s19] =	ssyncadd.s32 $0xFFFFF800  }
0x2d: {  	[spmem:s13] =	stream.linear.scatter [tilespmem:s18], [sflag:$0x2], $0x800, $0x38;
	[tilespmem:$0x7F00] =	vst v63  }
0x2e: {  	_ =	swait.ge [sflag:s19], $0x800  }
0x2f: {  	[sflag:s19] =	ssyncset.done $0x0  }
0x30: {  	s29 =	simm.s32 $0x0;
	[sflag:s19] =	ssyncadd.s32 $0xFFFFF800  }
0x31: {  	[tilespmem:s29], [sflag:$0x2] =	stream.linear.gather [hbm4b:s6+s29], $0x2780, $0x38;
	[tilespmem:$0x7F00] =	vst v63  }
0x32: {  	_ =	swait.ge [sflag:s19], $0x2780  }
0x33: {  	[sflag:s19] =	ssyncset.done $0x0  }
0x34: {  	[sflag:s19] =	ssyncadd.s32 $0xFFFFD880  }
0x35: {  	[tilespmem:s20], [sflag:$0x2] =	stream.linear.gather [hbm4b:s7+s29], $0x2780, $0x38;
	[tilespmem:$0x7F00] =	vst v63  }
0x36: {  	_ =	swait.ge [sflag:s19], $0x2780  }
0x37: {  	[sflag:s19] =	ssyncset.done $0x0  }
0x38: {  	[sflag:s19] =	ssyncadd.s32 $0xFFFFD880  }
0x39: {  	s29 =	simm.s32 $0x0;
	[bflag:$0x0] =	sbarrier.arrive $0xFFFF  }
0x3a: {  	[tilespmem:s18], [sflag:$0x1] =	stream.indirect.gather [hbm4b:s1+s26], $0x10, s29, s26, $0xb8;
	[tilespmem:$0x7F00] =	vst v63  }
0x3b: {  	_ =	swait.ge [sflag:s28], $0x800  }
0x3c: {  	[sflag:s28] =	ssyncset.done $0x0  }
0x3d: {  	s29 =	simm.s32 $0x2780;
	[sflag:s28] =	ssyncadd.s32 $0xFFFFF800  }
0x3e: {  	[spmem:s3] =	stream.indirect.scatter.add.f32 [tilespmem:s18], [sflag:$0x2], $0x10, s29, s26, $0xb8;
	[tilespmem:$0x7F00] =	vst v63  }
0x3f: {  	_ =	swait.ge [sflag:s19], $0x800  }
0x40: {  	s30 =	simm.s32 $0x400;
	s29 =	simm.s32 $0x200;
	[sflag:s19] =	ssyncset.done $0x0  }
.LBB2_4:
0x41: {  	s31 =	sshra.s32 s29, $0x2  }
0x42: {  	[sflag:s19] =	ssyncadd.s32 $0xFFFFF800;
	s29 =	smov.u32 s30;
	s2 =	sadd.s32 $0x200, s30  }
0x43: {  	[tilespmem:s18], [sflag:$0x1] =	stream.indirect.gather [hbm4b:s1+s26], $0x10, s31, s26, $0xb8;
	[tilespmem:$0x7F00] =	vst v63  }
0x44: {  	p0 =	sne.s32 s30, $0x9C00;
	_ =	swait.ge [sflag:s28], $0x800  }
.Ltmp1:
0x45: {  	[sflag:s28] =	ssyncset.done $0x0;
	(pc) =	sbr.rel @p0 .LBB2_4-.Ltmp1, $4  }
0x46: {  	s30 =	sadd.s32 $0x2780, s31;
	[sflag:s28] =	ssyncadd.s32 $0xFFFFF800  }
0x47: {  	[spmem:s3] =	stream.indirect.scatter.add.f32 [tilespmem:s18], [sflag:$0x2], $0x10, s30, s26, $0xb8;
	[tilespmem:$0x7F00] =	vst v63  }
0x48: {  	_ =	swait.ge [sflag:s19], $0x800  }
0x49: {  	s30 =	smov.u32 s2;
	[sflag:s19] =	ssyncset.done $0x0  }
0x4a: {  	s2 =	sshra.s32 s29, $0x2;
	[sflag:s19] =	ssyncadd.s32 $0xFFFFF800  }
0x4b: {  	[tilespmem:s18], [sflag:$0x1] =	stream.indirect.gather [hbm4b:s1+s26], $0x10, s2, s26, $0xb8;
	[tilespmem:$0x7F00] =	vst v63  }
0x4c: {  	_ =	swait.ge [sflag:s28], $0x800  }
0x4d: {  	[sflag:s28] =	ssyncset.done $0x0  }
0x4e: {  	s2 =	sadd.s32 $0x2780, s2;
	[sflag:s28] =	ssyncadd.s32 $0xFFFFF800  }
0x4f: {  	[spmem:s3] =	stream.indirect.scatter.add.f32 [tilespmem:s18], [sflag:$0x2], $0x10, s2, s26, $0xb8;
	[tilespmem:$0x7F00] =	vst v63  }
0x50: {  	_ =	swait.ge [sflag:s19], $0x800  }
0x51: {  	[sflag:s19] =	ssyncset.done $0x0  }
0x52: {  	s31 =	sshll.u32 s0, $0x6;
	[sflag:s19] =	ssyncadd.s32 $0xFFFFF800  }
0x53: {  	s2 =	sor.u32 $0x1C02, s31;
	[bflag:$0x0] =	sbarrier.arrive $0xFFFF  }
0x54: {  	[hbm:s8], [sflag:s2] =	dma.local [spmem:s21], $0x100  }
0x55: {  	_ =	swait.ge [sflag:s19], $0x100  }
0x56: {  	[sflag:s19] =	ssyncset.done $0x0  }
0x57: {  	[sflag:s19] =	ssyncadd.s32 $0xFFFFFF00  }
0x58: {  	[hbm:s14], [sflag:s2] =	dma.local [spmem:s22], $0x100  }
0x59: {  	_ =	swait.ge [sflag:s19], $0x100  }
0x5a: {  	[sflag:s19] =	ssyncset.done $0x0  }
0x5b: {  	[sflag:s19] =	ssyncadd.s32 $0xFFFFFF00  }
0x5c: {  	[hbm:s15], [sflag:s2] =	dma.local [spmem:s23], $0x100  }
0x5d: {  	_ =	swait.ge [sflag:s19], $0x100  }
0x5e: {  	[sflag:s19] =	ssyncset.done $0x0  }
0x5f: {  	[sflag:s19] =	ssyncadd.s32 $0xFFFFFF00  }
0x60: {  	[hbm:s16], [sflag:s2] =	dma.local [spmem:s24], $0x100  }
0x61: {  	s4 =	sadd.s32 $0x1, s4;
	_ =	swait.ge [sflag:s19], $0x100  }
0x62: {  	p0 =	sne.s32 s4, s9;
	[sflag:s19] =	ssyncset.done $0x0  }
.Ltmp2:
0x63: {  	[sflag:s19] =	ssyncadd.s32 $0xFFFFFF00;
	(pc) =	sbr.rel @p0 .LBB2_1-.Ltmp2, $4  }
0x64: {  	[hbm:s17], [sflag:s2] =	dma.local [spmem:s25], $0x100  }
0x65: {  	_ =	swait.ge [sflag:s19], $0x100  }
0x66: {  	[sflag:s19] =	ssyncset.done $0x0  }
0x67: {  	[sflag:s19] =	ssyncadd.s32 $0xFFFFFF00  }
0x68: {  	_ =	sfence.sel $0x180000  }
0x69: {  	[bflag:$0x0] =	sbarrier.arrive $0xFFFF  }
0x6a: {  	_ =	strace $0x9000004D  }
0x6b: {  	[bflag:$0x2] =	sbarrier.arrive $0xFFFF  }
0x6c: {  	p0 =	sne.s32 s0, $0x0;
	s0 =	rddreg [dreg:$0x3]  }
0x6d: {  	s0 =	sadd.s32 @!p0 $0x100000, s0  }
0x6e: {  	[sflag:s0] =	ssyncadd.tile.s32 @!p0 $0x1;
	_ =	shalt  }
.Lfunc_end2:
_tile_overlayer_lowered:
.L_overlay_start_2:
0x6f: {  	(tag) =	ssettag $0x2  }
0x70: {  	s0 =	rddreg [dreg:$0x0];
	s2 =	stileid.u32  }
0x71: {  	s1 =	rddreg [dreg:$0x1];
	p0 =	sne.s32 s2, $0x0  }
0x72: {  	s3 =	rddreg [dreg:$0x2];
	[bflag:$0x3] =	sbarrier.arrive $0xFFFF;
	s2 =	simm.s32 @!p0 $0x1C02  }
0x73: {  	[timem:s3], [sflag:s2] =	dma.local @!p0 [hbm:s0], s1  }
0x74: {  	s0 =	simm.s32 @!p0 $0x2  }
0x75: {  	_ =	swait.ge @!p0 [sflag:s0], s1  }
0x76: {  	s1 =	ssub.s32 @!p0 $0x0, s1;
	[sflag:s0] =	ssyncset.done @!p0 $0x0  }
0x77: {  	[sflag:s0] =	ssyncadd.s32 @!p0 s1  }
0x78: {  	[bflag:$0x3] =	sbarrier.arrive $0xFFFF  }
0x79: {  	_ =	shalt  }

// kernel: kernel.9.cloned.1.call-start
scs
__scs_entry_jumppad:
0x0: {  	(pc) =	sbr.rel $0x88, $3  }
0x1: {  	(tag) =	ssettag $0x0;
	lr =	simm.s32 $0x1  }
0x2: {  	[smem:$0x3F9B] =	sst lr;
	_ =	strace $0xD0000000  }
0x3: {  	_ = 	snop  }
0x4: {  	_ = 	snop  }
0x5: {  	_ = 	snop  }
0x6: {  	_ = 	snop  }
0x7: {  	_ = 	snop  }
__scs_overlays_trampoline_lowered:
0x8: {  	[smem:$0x3FAA] =	sst s0  }
0x9: {  	[smem:$0x3FAB] =	sst s1  }
0xa: {  	[smem:$0x3FAC] =	sst s2  }
0xb: {  	[smem:$0x3FAD] =	sst s3  }
0xc: {  	[smem:$0x3FAE] =	sst s4  }
0xd: {  	[smem:$0x3FAF] =	sst s5  }
0xe: {  	[smem:$0x3FB0] =	sst s6  }
0xf: {  	[smem:$0x3FB1] =	sst s7  }
0x10: {  	[smem:$0x3FB2] =	sst s8  }
0x11: {  	[smem:$0x3FB3] =	sst s9;
	s0 =	simm.s32 @!p0 $0x0  }
0x12: {  	s1 =	sld [smem:$0x3F99];
	s0 =	simm.s32 @p0 $0x1  }
0x13: {  	[smem:$0x3FB4] =	sst s0;
	s0 =	simm.s32 @!p1 $0x0  }
0x14: {  	s2 =	sld [smem:$0x3F98];
	s0 =	simm.s32 @p1 $0x1  }
0x15: {  	[smem:$0x3FB5] =	sst s0;
	s0 =	simm.s32 @!p2 $0x0  }
0x16: {  	s3 =	sld [smem:$0x3FDB];
	s0 =	simm.s32 @p2 $0x1  }
0x17: {  	s4 =	simm.s32 $0x1BF5;
	[smem:$0x3FB7] =	sst s0  }
0x18: {  	s0 =	sld [smem:$0x3F9A];
	_ =	swait.ge [sflag:s4], $0x0  }
0x19: {  	s7 =	sld [smem:$0x3F9B]  }
0x1a: {  	s8 =	sadd.s32 $0xFFFFE003, lr  }
0x1b: {  	s9 =	sadd.s32 $0xFFFFFEF7, lr;
	s5 =	simm.s32 $0xFFFFFFFF;
	p2 =	slt.u32 s8, $0xFFFFF086  }
0x1c: {  	p1 =	slt.u32 s9, $0xF7A;
	s5 =	simm.s32 @!p2 $0x0  }
0x1d: {  	s5 =	simm.s32 @p1 $0x1;
	p0 =	seq.s32 s7, s2  }
0x1e: {  	s7 =	smul.u32 @!p0 $0xF7A, s2;
	p2 =	seq.s32 @!p0 s5, $0x0  }
0x1f: {  	s9 =	smul.u32 $0xF7A, s1;
	s8 =	simm.s32 @!p0 $0x1BF5;
	p2 =	por !p2, p0  }
0x20: {  	[sflag:s8] =	ssyncset.s32 @!p0 $0xFFFFF086;
	s6 =	sadd.s32 @!p0 s3, s7;
	s7 =	simm.s32 @!p0 $0x108  }
0x21: {  	s3 =	sadd.s32 s3, s9;
	s6 =	sadd.s32 @!p0 $0x88, s6;
	s7 =	simm.s32 @p2 $0x1082  }
0x22: {  	[simem:s7], [sflag:s8] =	dma.local @!p0 [hbm:s6], $0xF7A  }
0x23: {  	s9 =	sor.u32 $0xD0000000, s2;
	s6 =	simm.s32 $0x108;
	_ =	swait.ge @!p0 [sflag:s8], $0x0  }
0x24: {  	s3 =	sadd.s32 $0x88, s3;
	s6 =	simm.s32 @!p1 $0x1082;
	[sflag:s4] =	ssyncset.s32 $0xFFFFF086  }
0x25: {  	[simem:s6], [sflag:s4] =	dma.local [hbm:s3], $0xF7A  }
0x26: {  	[smem:$0x3F9B] =	sst s1;
	(tag) =	ssettag s2;
	_ =	strace s9  }
0x27: {  	s1 =	sld [smem:$0x3FAB]  }
0x28: {  	s2 =	sld [smem:$0x3FAC]  }
0x29: {  	s4 =	sld [smem:$0x3FAE]  }
0x2a: {  	p0 =	seq.s32 s5, $0x0;
	s5 =	sld [smem:$0x3FAF]  }
0x2b: {  	s6 =	sld [smem:$0x3FB0]  }
0x2c: {  	s7 =	sld [smem:$0x3FB1]  }
0x2d: {  	s3 =	simm.s32 $0x108;
	s8 =	sld [smem:$0x3FB2]  }
0x2e: {  	s3 =	simm.s32 @!p0 $0x1082;
	s9 =	sld [smem:$0x3FB3]  }
0x2f: {  	lr =	sadd.s32 s0, s3;
	s0 =	sld [smem:$0x3FAA]  }
0x30: {  	s3 =	sld [smem:$0x3FAD]  }
0x31: {  	[smem:$0x3FB6] =	sst s10  }
0x32: {  	s10 =	sld [smem:$0x3FB4];
	_ =	sdelay $0x3  }
0x33: {  	p0 =	seq.s32 s10, $0x1;
	s10 =	sld [smem:$0x3FB6];
	_ =	sdelay $0x3  }
0x34: {  	[smem:$0x3FB6] =	sst s10  }
0x35: {  	s10 =	sld [smem:$0x3FB5];
	_ =	sdelay $0x3  }
0x36: {  	p1 =	seq.s32 s10, $0x1;
	s10 =	sld [smem:$0x3FB6];
	_ =	sdelay $0x3  }
0x37: {  	[smem:$0x3FB6] =	sst s10  }
0x38: {  	s10 =	sld [smem:$0x3FB7]  }
0x39: {  	_ = 	snop;
	(pc) =	sbr.ind lr, $3  }
0x3a: {  	_ = 	snop  }
0x3b: {  	_ = 	snop  }
0x3c: {  	p2 =	seq.s32 s10, $0x1;
	s10 =	sld [smem:$0x3FB6]  }
0x3d: {  	_ =	shalt  }
0x3e: {  	_ =	shalt  }
0x3f: {  	_ =	shalt  }
0x40: {  	_ =	shalt  }
0x41: {  	_ =	shalt  }
0x42: {  	_ =	shalt  }
0x43: {  	_ =	shalt  }
0x44: {  	_ =	shalt  }
0x45: {  	_ =	shalt  }
0x46: {  	_ =	shalt  }
0x47: {  	_ =	shalt  }
0x48: {  	_ =	shalt  }
0x49: {  	_ =	shalt  }
0x4a: {  	_ =	shalt  }
0x4b: {  	_ =	shalt  }
0x4c: {  	_ =	shalt  }
0x4d: {  	_ =	shalt  }
0x4e: {  	_ =	shalt  }
0x4f: {  	_ =	shalt  }
0x50: {  	_ =	shalt  }
0x51: {  	_ =	shalt  }
0x52: {  	_ =	shalt  }
0x53: {  	_ =	shalt  }
0x54: {  	_ =	shalt  }
0x55: {  	_ =	shalt  }
0x56: {  	_ =	shalt  }
0x57: {  	_ =	shalt  }
0x58: {  	_ =	shalt  }
0x59: {  	_ =	shalt  }
0x5a: {  	_ =	shalt  }
0x5b: {  	_ =	shalt  }
0x5c: {  	_ =	shalt  }
0x5d: {  	_ =	shalt  }
0x5e: {  	_ =	shalt  }
0x5f: {  	_ =	shalt  }
0x60: {  	_ =	shalt  }
0x61: {  	_ =	shalt  }
0x62: {  	_ =	shalt  }
0x63: {  	_ =	shalt  }
0x64: {  	_ =	shalt  }
0x65: {  	_ =	shalt  }
0x66: {  	_ =	shalt  }
0x67: {  	_ =	shalt  }
0x68: {  	_ =	shalt  }
0x69: {  	_ =	shalt  }
0x6a: {  	_ =	shalt  }
0x6b: {  	_ =	shalt  }
0x6c: {  	_ =	shalt  }
0x6d: {  	_ =	shalt  }
0x6e: {  	_ =	shalt  }
0x6f: {  	_ =	shalt  }
0x70: {  	_ =	shalt  }
0x71: {  	_ =	shalt  }
0x72: {  	_ =	shalt  }
0x73: {  	_ =	shalt  }
0x74: {  	_ =	shalt  }
0x75: {  	_ =	shalt  }
0x76: {  	_ =	shalt  }
0x77: {  	_ =	shalt  }
0x78: {  	_ =	shalt  }
0x79: {  	_ =	shalt  }
0x7a: {  	_ =	shalt  }
0x7b: {  	_ =	shalt  }
0x7c: {  	_ =	shalt  }
0x7d: {  	_ =	shalt  }
0x7e: {  	_ =	shalt  }
0x7f: {  	_ =	shalt  }
0x80: {  	_ =	shalt  }
0x81: {  	_ =	shalt  }
0x82: {  	_ =	shalt  }
0x83: {  	_ =	shalt  }
0x84: {  	_ =	shalt  }
0x85: {  	_ =	shalt  }
0x86: {  	_ =	shalt  }
0x87: {  	_ =	shalt  }
.Lfunc_end0:
.L_simem_size_0:
called_computation_lowered:
.L_overlay_start_0:
0x88: {  	s2 =	sld [smem:$0x3FD9]  }
0x89: {  	s3 =	sld [smem:$0x3FFE];
	_ =	sdelay $0x1  }
0x8a: {  	s1 =	srdreg.scid  }
0x8b: {  	s0 =	sand.u32 $0x1, s1  }
0x8c: {  	s17 =	sshll.u32 s0, $0xA;
	s2 =	sadd.s32 s3, s2  }
0x8d: {  	s2 =	sadd.s32 s2, s17  }
0x8e: {  	[smem:$0x3FC2] =	sst s2  }
0x8f: {  	_ = 	snop  }
0x90: {  	s2 =	sld [smem:$0x3FD0];
	(tm) =	ssettm $0x1  }
0x91: {  	s18 =	sld [smem:$0x3FFB];
	_ =	sdelay $0x3  }
0x92: {  	_ =	strace s18  }
0x93: {  	s3 =	sld [smem:$0x3FFC];
	_ =	sdelay $0x3  }
0x94: {  	_ =	strace s3  }
0x95: {  	s3 =	sld [smem:$0x3FFD];
	_ =	sdelay $0x3  }
0x96: {  	_ =	strace s3  }
0x97: {  	_ =	strace $0x8FFFFFFF  }
0x98: {  	s19 =	sld [smem:$0x3FDB];
	_ =	sdelay $0x1  }
0x99: {  	s4 =	simm.s32 $_scs_section_size  }
0x9a: {  	s5 =	simm.s32 $_size__tile_overlayer_lowered;
	s6 =	simm.s32 $_tile_overlayer_lowered  }
0x9b: {  	s22 =	simm.s32 $0x1BFF;
	s21 =	sshll.u32 s6, $0x1;
	s3 =	sadd.s32 s4, s19  }
0x9c: {  	s7 =	simm.s32 $0x0;
	s20 =	sshll.u32 s5, $0x1;
	s5 =	sadd.s32 s21, s3  }
0x9d: {  	[timem:s7], [sflag:s22] =	dma.local [hbm:s5], s20  }
0x9e: {  	_ =	swait.ge [sflag:s22], s20  }
0x9f: {  	s4 =	ssub.s32 $0x0, s20;
	[sflag:s22] =	ssyncset.done $0x0  }
0xa0: {  	[sflag:s22] =	ssyncadd.s32 s4;
	_ =	sdelay $0x1  }
0xa1: {  	s23 =	simm.s32 $0x1B8B  }
0xa2: {  	_ =	swait.ge [sflag:s23], $0x1  }
0xa3: {  	[sflag:s23] =	ssyncset.done $0x0  }
0xa4: {  	s25 =	simm.s32 $0x1B8E;
	s24 =	sld [smem:$0x3FFE];
	[sflag:s23] =	ssyncadd.s32 $0xFFFFFFFF  }
0xa5: {  	s26 =	simm.s32 $execute0_lowered;
	[smem:$0x3FD2] =	sst s25  }
0xa6: {  	s5 =	sshll.u32 s26, $0x1;
	_ =	strace $0x80000046;
	[dreg:$0x1] =	wrdreg $0xFFFFFFFF  }
0xa7: {  	s28 =	simm.s32 $_size_execute0_lowered;
	s3 =	sadd.s32 s3, s5;
	[dreg:$0x0] =	wrdreg $0x0  }
0xa8: {  	s5 =	sshll.u32 s28, $0x1;
	[dreg:$0x2] =	wrdreg s3  }
0xa9: {  	[dreg:$0x3] =	wrdreg s5  }
0xaa: {  	[dreg:$0x4] =	wrdreg $0xC0  }
0xab: {  	_ =	task [dreg:s7], $0x5FFFF  }
0xac: {  	[dreg:$0x1] =	wrdreg $0xFFFFFFFF  }
0xad: {  	[dreg:$0x0] =	wrdreg $0x60  }
0xae: {  	[dreg:$0x2] =	wrdreg s2  }
0xaf: {  	[dreg:$0x3] =	wrdreg s24  }
0xb0: {  	[dreg:$0x4] =	wrdreg $0x57000  }
0xb1: {  	[dreg:$0x5] =	wrdreg $0x9  }
0xb2: {  	_ =	task.clear_ibuf [dreg:s7], $0x6FFFF;
	_ =	strace $0x90000046  }
0xb3: {  	s29 =	simm.s32 $0x9;
	_ =	strace $0x80000048  }
0xb4: {  	_ =	swait.ge [sflag:s29], $0x1  }
0xb5: {  	[sflag:s29] =	ssyncadd.s32 $0xFFFFFFFF  }
0xb6: {  	_ =	strace $0x90000048  }
0xb7: {  	_ =	sfence  }
0xb8: {  	s30 =	sld [smem:$0x0];
	_ =	sdelay $0x2  }
0xb9: {  	s31 =	sshll.u32 s1, $0xD;
	s1 =	sshrl.u32 s1, $0x2  }
0xba: {  	s3 =	sand.u32 $0x4000, s31;
	s1 =	sadd.s32 s1, s30  }
0xbb: {  	s0 =	sor.u32 s3, s0;
	s1 =	sshll.u32 s1, $0x11  }
0xbc: {  	s0 =	sor.u32 s1, s0  }
0xbd: {  	s0 =	sadd.s32 $0x8F2B, s0  }
0xbe: {  	[sflag:s0] =	ssyncadd.remote.s32 $0x1  }
0xbf: {  	_ =	sfence.sel $0xFFFF  }
0xc0: {  	[dreg:$0x0] =	wrdreg $0xFFFFFFFF;
	(pc) =	sbr.abs _section_cstart, $3  }
0xc1: {  	[dreg:$0x1] =	wrdreg $0xFFFFFFFF  }
0xc2: {  	_ =	task.clear_ibuf [dreg:s7], $0x2FFFF;
	_ =	strace $0x9FFFFFFF  }
0xc3: {  	(tm) =	ssettm $0x7FFFFFFF  }
tec
execute0_lowered:
.L_overlay_start_1:
0x0: {  	(tag) =	ssettag $0x1  }
0x1: {  	s1 =	rddreg [dreg:$0x0]  }
0x2: {  	s2 =	srdreg.scid;
	s6 =	rddreg [dreg:$0x1]  }
0x3: {  	s0 =	stileid.u32;
	s3 =	rddreg [dreg:$0x2];
	s4 =	simm.s32 $0x0  }
0x4: {  	s5 =	sand.u32 $0x1, s2;
	s22 =	sshll.u32 s0, $0x1;
	s8 =	smul.u32 $0xA000, s0  }
0x5: {  	[smem:$0x7FF] =	sst s4;
	s17 =	smul.u32 $0x2800, s0;
	s18 =	sadd.s32 $0x15200, s6  }
0x6: {  	s2 =	sor.u32 s5, s22;
	s16 =	smul.u32 $0x28000, s5;
	s5 =	ssub.s32 $0x2, s5  }
0x7: {  	_ =	strace $0x80000047;
	s7 =	smul.u32 $0x4F0, s2;
	s23 =	sshrl.u32 s5, $0x1  }
0x8: {  	s8 =	sshrl.u32 s8, $0x2;
	s15 =	sadd.s32 $0x800, s17;
	s19 =	sadd.s32 $0x1000, s17  }
0x9: {  	s21 =	sadd.s32 s17, s3;
	s26 =	sadd.s32 $0x1800, s17;
	s9 =	sadd.s32 s16, s17  }
0xa: {  	s10 =	ssub.s32 s5, s23;
	s5 =	sadd.s32 s8, s3;
	s14 =	sadd.s32 s16, s15  }
0xb: {  	s20 =	sadd.s32 s16, s19;
	s22 =	sadd.s32 s15, s3;
	s23 =	sadd.s32 s16, s26  }
0xc: {  	s26 =	sadd.s32 s26, s3;
	s21 =	sshrl.u32 s21, $0x3;
	s7 =	sadd.s32 s7, s6  }
0xd: {  	s24 =	sshrl.u32 s9, $0x3;
	s9 =	smax.u32 s10, $0x1;
	s10 =	sadd.s32 $0x800, s5  }
0xe: {  	s11 =	sadd.s32 $0x1000, s5;
	s12 =	sadd.s32 $0x1800, s5;
	s13 =	sadd.s32 $0x2000, s5  }
0xf: {  	s14 =	sshrl.u32 s14, $0x3;
	s25 =	sshrl.u32 s20, $0x3;
	s29 =	sshrl.u32 s23, $0x3  }
0x10: {  	s20 =	simm.s32 $0x2780;
	s22 =	sshrl.u32 s22, $0x3;
	s6 =	sadd.s32 $0xB400, s7  }
0x11: {  	s7 =	sadd.s32 $0x1600, s7;
	s8 =	sadd.s32 s18, s24;
	s14 =	sadd.s32 s18, s14  }
0x12: {  	s15 =	sadd.s32 s18, s25;
	s24 =	sadd.s32 $0x2000, s17;
	s25 =	sadd.s32 s19, s3  }
0x13: {  	s19 =	simm.s32 $0x2;
	s30 =	sadd.s32 s16, s24;
	s16 =	sadd.s32 s18, s29  }
0x14: {  	s28 =	sadd.s32 s24, s3;
	s23 =	sshrl.u32 s25, $0x3;
	s24 =	sshrl.u32 s26, $0x3  }
0x15: {  	s26 =	simm.s32 $0x80;
	s31 =	sshrl.u32 s30, $0x3;
	s25 =	sshrl.u32 s28, $0x3  }
0x16: {  	v0 =	vimm.f32 $0.0e+00;
	s28 =	simm.s32 $0x1;
	s17 =	sadd.s32 s18, s31;
	s18 =	simm.s32 $0x4F00  }
.LBB2_1:
0x17: {  	s29 =	simm.s32 $0x40;
	s30 =	simm.s32 $0x0  }
.LBB2_2:
0x18: {  	p0 =	sne.s32 s29, $0x1FC0;
	[tilespmem:s30+$0x4F00] =	vst v0;
	s30 =	smov.u32 s29;
	s29 =	sadd.s32 $0x40, s29  }
.Ltmp0:
0x19: {  	(pc) =	sbr.rel @p0 .LBB2_2-.Ltmp0, $2  }
0x1a: {  	_ =	sdelay $0x2  }
0x1b: {  	s30 =	sshra.s32 s30, $0x2  }
0x1c: {  	[tilespmem:s30+$0x4F00] =	vst v0  }
0x1d: {  	[spmem:s5] =	stream.linear.scatter [tilespmem:s18], [sflag:$0x2], $0x800, $0x38;
	[tilespmem:$0x7F00] =	vst v63  }
0x1e: {  	_ =	swait.ge [sflag:s19], $0x800  }
0x1f: {  	[sflag:s19] =	ssyncset.done $0x0  }
0x20: {  	[sflag:s19] =	ssyncadd.s32 $0xFFFFF800  }
0x21: {  	[spmem:s10] =	stream.linear.scatter [tilespmem:s18], [sflag:$0x2], $0x800, $0x38;
	[tilespmem:$0x7F00] =	vst v63  }
0x22: {  	_ =	swait.ge [sflag:s19], $0x800  }
0x23: {  	[sflag:s19] =	ssyncset.done $0x0  }
0x24: {  	[sflag:s19] =	ssyncadd.s32 $0xFFFFF800  }
0x25: {  	[spmem:s11] =	stream.linear.scatter [tilespmem:s18], [sflag:$0x2], $0x800, $0x38;
	[tilespmem:$0x7F00] =	vst v63  }
0x26: {  	_ =	swait.ge [sflag:s19], $0x800  }
0x27: {  	[sflag:s19] =	ssyncset.done $0x0  }
0x28: {  	[sflag:s19] =	ssyncadd.s32 $0xFFFFF800  }
0x29: {  	[spmem:s12] =	stream.linear.scatter [tilespmem:s18], [sflag:$0x2], $0x800, $0x38;
	[tilespmem:$0x7F00] =	vst v63  }
0x2a: {  	_ =	swait.ge [sflag:s19], $0x800  }
0x2b: {  	[sflag:s19] =	ssyncset.done $0x0  }
0x2c: {  	[sflag:s19] =	ssyncadd.s32 $0xFFFFF800  }
0x2d: {  	[spmem:s13] =	stream.linear.scatter [tilespmem:s18], [sflag:$0x2], $0x800, $0x38;
	[tilespmem:$0x7F00] =	vst v63  }
0x2e: {  	_ =	swait.ge [sflag:s19], $0x800  }
0x2f: {  	[sflag:s19] =	ssyncset.done $0x0  }
0x30: {  	s29 =	simm.s32 $0x0;
	[sflag:s19] =	ssyncadd.s32 $0xFFFFF800  }
0x31: {  	[tilespmem:s29], [sflag:$0x2] =	stream.linear.gather [hbm4b:s6+s29], $0x2780, $0x38;
	[tilespmem:$0x7F00] =	vst v63  }
0x32: {  	_ =	swait.ge [sflag:s19], $0x2780  }
0x33: {  	[sflag:s19] =	ssyncset.done $0x0  }
0x34: {  	[sflag:s19] =	ssyncadd.s32 $0xFFFFD880  }
0x35: {  	[tilespmem:s20], [sflag:$0x2] =	stream.linear.gather [hbm4b:s7+s29], $0x2780, $0x38;
	[tilespmem:$0x7F00] =	vst v63  }
0x36: {  	_ =	swait.ge [sflag:s19], $0x2780  }
0x37: {  	[sflag:s19] =	ssyncset.done $0x0  }
0x38: {  	[sflag:s19] =	ssyncadd.s32 $0xFFFFD880  }
0x39: {  	s29 =	simm.s32 $0x0;
	[bflag:$0x0] =	sbarrier.arrive $0xFFFF  }
0x3a: {  	[tilespmem:s18], [sflag:$0x1] =	stream.indirect.gather [hbm4b:s1+s26], $0x10, s29, s26, $0xb8;
	[tilespmem:$0x7F00] =	vst v63  }
0x3b: {  	_ =	swait.ge [sflag:s28], $0x800  }
0x3c: {  	[sflag:s28] =	ssyncset.done $0x0  }
0x3d: {  	s29 =	simm.s32 $0x2780;
	[sflag:s28] =	ssyncadd.s32 $0xFFFFF800  }
0x3e: {  	[spmem:s3] =	stream.indirect.scatter.add.f32 [tilespmem:s18], [sflag:$0x2], $0x10, s29, s26, $0xb8;
	[tilespmem:$0x7F00] =	vst v63  }
0x3f: {  	_ =	swait.ge [sflag:s19], $0x800  }
0x40: {  	s30 =	simm.s32 $0x400;
	s29 =	simm.s32 $0x200;
	[sflag:s19] =	ssyncset.done $0x0  }
.LBB2_4:
0x41: {  	s31 =	sshra.s32 s29, $0x2  }
0x42: {  	[sflag:s19] =	ssyncadd.s32 $0xFFFFF800;
	s29 =	smov.u32 s30;
	s2 =	sadd.s32 $0x200, s30  }
0x43: {  	[tilespmem:s18], [sflag:$0x1] =	stream.indirect.gather [hbm4b:s1+s26], $0x10, s31, s26, $0xb8;
	[tilespmem:$0x7F00] =	vst v63  }
0x44: {  	p0 =	sne.s32 s30, $0x9C00;
	_ =	swait.ge [sflag:s28], $0x800  }
.Ltmp1:
0x45: {  	[sflag:s28] =	ssyncset.done $0x0;
	(pc) =	sbr.rel @p0 .LBB2_4-.Ltmp1, $4  }
0x46: {  	s30 =	sadd.s32 $0x2780, s31;
	[sflag:s28] =	ssyncadd.s32 $0xFFFFF800  }
0x47: {  	[spmem:s3] =	stream.indirect.scatter.add.f32 [tilespmem:s18], [sflag:$0x2], $0x10, s30, s26, $0xb8;
	[tilespmem:$0x7F00] =	vst v63  }
0x48: {  	_ =	swait.ge [sflag:s19], $0x800  }
0x49: {  	s30 =	smov.u32 s2;
	[sflag:s19] =	ssyncset.done $0x0  }
0x4a: {  	s2 =	sshra.s32 s29, $0x2;
	[sflag:s19] =	ssyncadd.s32 $0xFFFFF800  }
0x4b: {  	[tilespmem:s18], [sflag:$0x1] =	stream.indirect.gather [hbm4b:s1+s26], $0x10, s2, s26, $0xb8;
	[tilespmem:$0x7F00] =	vst v63  }
0x4c: {  	_ =	swait.ge [sflag:s28], $0x800  }
0x4d: {  	[sflag:s28] =	ssyncset.done $0x0  }
0x4e: {  	s2 =	sadd.s32 $0x2780, s2;
	[sflag:s28] =	ssyncadd.s32 $0xFFFFF800  }
0x4f: {  	[spmem:s3] =	stream.indirect.scatter.add.f32 [tilespmem:s18], [sflag:$0x2], $0x10, s2, s26, $0xb8;
	[tilespmem:$0x7F00] =	vst v63  }
0x50: {  	_ =	swait.ge [sflag:s19], $0x800  }
0x51: {  	[sflag:s19] =	ssyncset.done $0x0  }
0x52: {  	s31 =	sshll.u32 s0, $0x6;
	[sflag:s19] =	ssyncadd.s32 $0xFFFFF800  }
0x53: {  	s2 =	sor.u32 $0x1C02, s31;
	[bflag:$0x0] =	sbarrier.arrive $0xFFFF  }
0x54: {  	[hbm:s8], [sflag:s2] =	dma.local [spmem:s21], $0x100  }
0x55: {  	_ =	swait.ge [sflag:s19], $0x100  }
0x56: {  	[sflag:s19] =	ssyncset.done $0x0  }
0x57: {  	[sflag:s19] =	ssyncadd.s32 $0xFFFFFF00  }
0x58: {  	[hbm:s14], [sflag:s2] =	dma.local [spmem:s22], $0x100  }
0x59: {  	_ =	swait.ge [sflag:s19], $0x100  }
0x5a: {  	[sflag:s19] =	ssyncset.done $0x0  }
0x5b: {  	[sflag:s19] =	ssyncadd.s32 $0xFFFFFF00  }
0x5c: {  	[hbm:s15], [sflag:s2] =	dma.local [spmem:s23], $0x100  }
0x5d: {  	_ =	swait.ge [sflag:s19], $0x100  }
0x5e: {  	[sflag:s19] =	ssyncset.done $0x0  }
0x5f: {  	[sflag:s19] =	ssyncadd.s32 $0xFFFFFF00  }
0x60: {  	[hbm:s16], [sflag:s2] =	dma.local [spmem:s24], $0x100  }
0x61: {  	s4 =	sadd.s32 $0x1, s4;
	_ =	swait.ge [sflag:s19], $0x100  }
0x62: {  	p0 =	sne.s32 s4, s9;
	[sflag:s19] =	ssyncset.done $0x0  }
.Ltmp2:
0x63: {  	[sflag:s19] =	ssyncadd.s32 $0xFFFFFF00;
	(pc) =	sbr.rel @p0 .LBB2_1-.Ltmp2, $4  }
0x64: {  	[hbm:s17], [sflag:s2] =	dma.local [spmem:s25], $0x100  }
0x65: {  	_ =	swait.ge [sflag:s19], $0x100  }
0x66: {  	[sflag:s19] =	ssyncset.done $0x0  }
0x67: {  	[sflag:s19] =	ssyncadd.s32 $0xFFFFFF00  }
0x68: {  	_ =	sfence.sel $0x180000  }
0x69: {  	[bflag:$0x0] =	sbarrier.arrive $0xFFFF  }
0x6a: {  	_ =	strace $0x90000047  }
0x6b: {  	[bflag:$0x2] =	sbarrier.arrive $0xFFFF  }
0x6c: {  	p0 =	sne.s32 s0, $0x0;
	s0 =	rddreg [dreg:$0x3]  }
0x6d: {  	s0 =	sadd.s32 @!p0 $0x100000, s0  }
0x6e: {  	[sflag:s0] =	ssyncadd.tile.s32 @!p0 $0x1;
	_ =	shalt  }
.Lfunc_end2:
_tile_overlayer_lowered:
.L_overlay_start_2:
0x6f: {  	(tag) =	ssettag $0x2  }
0x70: {  	s0 =	rddreg [dreg:$0x0];
	s2 =	stileid.u32  }
0x71: {  	s1 =	rddreg [dreg:$0x1];
	p0 =	sne.s32 s2, $0x0  }
0x72: {  	s3 =	rddreg [dreg:$0x2];
	[bflag:$0x3] =	sbarrier.arrive $0xFFFF;
	s2 =	simm.s32 @!p0 $0x1C02  }
0x73: {  	[timem:s3], [sflag:s2] =	dma.local @!p0 [hbm:s0], s1  }
0x74: {  	s0 =	simm.s32 @!p0 $0x2  }
0x75: {  	_ =	swait.ge @!p0 [sflag:s0], s1  }
0x76: {  	s1 =	ssub.s32 @!p0 $0x0, s1;
	[sflag:s0] =	ssyncset.done @!p0 $0x0  }
0x77: {  	[sflag:s0] =	ssyncadd.s32 @!p0 s1  }
0x78: {  	[bflag:$0x3] =	sbarrier.arrive $0xFFFF  }
0x79: {  	_ =	shalt  }

</sc_bundles>
